<compile_context>
chip_gen: v7x
topology: tpu7x:2x2x1
jax: 0.10.2.dev20260603
libtpu: 0.0.44.dev20260713+nightly
codegen_flags: <defaults>
</compile_context>

<pallas_src>
import functools

import jax
import jax.numpy as jnp
from jax import lax
from jax.experimental import pallas as pl
from jax.experimental.pallas import tpu as pltpu
from jax.experimental.pallas import tpu_sc as plsc

_B = 4096
_L = 20
_D = 64
_F = 4

_NC = 2
_NS = 16
_NW = _NC * _NS

_S = _F * _B
_SPW = _S // _NW
_CHUNK = 32
_RPC = _CHUNK * _L
_NSTREAM = _RPC // 128
_NCHUNK = _SPW // _CHUNK


def _sc_body(table_hbm, idx_hbm, out_hbm, idx_v, rows_v, out_v, sems):
    wid = lax.axis_index("s") * _NC + lax.axis_index("c")
    idx_rows_per_worker = _NCHUNK * _NSTREAM

    pltpu.sync_copy(idx_hbm.at[pl.ds(wid * idx_rows_per_worker, idx_rows_per_worker)], idx_v)

    def load_and_fire(c, buf):
        for k in range(_NSTREAM):
            pltpu.async_copy(
                table_hbm.at[idx_v.at[c * _NSTREAM + k]],
                rows_v.at[buf, pl.ds(k * 128, 128)],
                sems.at[buf],
            )

    def drain(c, buf):
        for k in range(_NSTREAM):
            pltpu.make_async_copy(
                table_hbm.at[idx_v.at[c * _NSTREAM + k]],
                rows_v.at[buf, pl.ds(k * 128, 128)],
                sems.at[buf],
            ).wait()

    def pool_and_store(c, buf):
        def s_body(s, _):
            r0 = s * _L
            for j in range(_D // 16):
                dsl = pl.ds(j * 16, 16)
                acc = rows_v[buf, r0, dsl]
                for l in range(1, _L):
                    acc = acc + rows_v[buf, r0 + l, dsl]
                out_v[s, dsl] = acc
            return 0

        lax.fori_loop(0, _CHUNK, s_body, 0)
        pltpu.sync_copy(out_v, out_hbm.at[pl.ds(wid * _SPW + c * _CHUNK, _CHUNK)])

    load_and_fire(0, 0)

    def chunk_body(c, _):
        buf = lax.rem(c, 2)
        nxt = 1 - buf

        @pl.when(c + 1 < _NCHUNK)
        def _():
            load_and_fire(c + 1, nxt)

        drain(c, buf)
        pool_and_store(c, buf)
        return 0

    lax.fori_loop(0, _NCHUNK, chunk_body, 0)


def _make_sc_call():
    mesh = plsc.VectorSubcoreMesh(core_axis_name="c", subcore_axis_name="s")
    return pl.kernel(
        _sc_body,
        mesh=mesh,
        compiler_params=pltpu.CompilerParams(use_tc_tiling_on_sc=False),
        out_type=jax.ShapeDtypeStruct((_S, _D), jnp.float32),
        scratch_types=[
            pltpu.VMEM((_NCHUNK * _NSTREAM, 128), jnp.int32),
            pltpu.VMEM((2, _RPC, _D), jnp.float32),
            pltpu.VMEM((_CHUNK, _D), jnp.float32),
            pltpu.SemaphoreType.DMA((2,)),
        ],
    )


@jax.jit
def kernel(head_idx, tail_idx, neg_head_idx, neg_tail_idx, entity_table):
    idx_all = jnp.stack([head_idx, tail_idx, neg_head_idx, neg_tail_idx])
    idx_flat = idx_all.reshape(_F * _B * _L // 128, 128)
    out = _make_sc_call()(entity_table, idx_flat)
    return out.reshape(_F, _B, _D)

# --- scband reference (transcript-rebuilt; emitter-appended) ---
"""Pipeline reference for scband-sharded-entity-encoder-14173392077221 (READ-ONLY COPY).

The authoritative reference and input builder live on the scoring server;
editing this copy changes nothing except your own understanding.
"""

import jax, jax.numpy as jnp
import numpy as np

B, L, V, D = 4096, 20, 1000000, 64


def setup_inputs(seed: int = 0) -> dict:
    key = jax.random.key(seed)
    k1, k2, k3, k4, k5 = jax.random.split(key, 5)
    return {
        "head_idx": jax.random.randint(k1, (B, L), 0, V, dtype=jnp.int32),
        "tail_idx": jax.random.randint(k2, (B, L), 0, V, dtype=jnp.int32),
        "neg_head_idx": jax.random.randint(k3, (B, L), 0, V, dtype=jnp.int32),
        "neg_tail_idx": jax.random.randint(k4, (B, L), 0, V, dtype=jnp.int32),
        "entity_table": jax.random.normal(k5, (V, D), dtype=jnp.float32) * 0.02,
    }


def reference(head_idx, tail_idx, neg_head_idx, neg_tail_idx, entity_table):
    # Single shared entity table referenced by 4 feature keys
    # (head / tail / neg_head / neg_tail), SUM pooling over the
    # jagged dimension (fixed L lookups per sample here).
    def pooled_lookup(idx):
        emb = jnp.take(entity_table, idx, axis=0)  # [B, L, D] gather
        return emb.sum(axis=1)                     # SUM pooling -> [B, D]

    head = pooled_lookup(head_idx)
    tail = pooled_lookup(tail_idx)
    neg_head = pooled_lookup(neg_head_idx)
    neg_tail = pooled_lookup(neg_tail_idx)
    # dict ordered by ENTITY_FEATURE_KEYS, stacked for a single array output
    return jnp.stack([head, tail, neg_head, neg_tail], axis=0)  # [4, B, D]

if __name__ == "__main__":
    import jax
    _d = setup_inputs()
    print(jax.jit(kernel)(*tuple(_d.values())))

</pallas_src>

<mosaic_0001>
#map = affine_map<(d0, d1) -> (0, 0)>
module attributes {stable_mosaic.version = 14 : i64} {
  func.func @_sc_body(%arg0: i32, %arg1: i32, %arg2: memref<1000000x64xf32, #tpu.memory_space<hbm>>, %arg3: memref<2560x128xi32, #tpu.memory_space<hbm>>, %arg4: memref<16384x64xf32, #tpu.memory_space<hbm>>, %arg5: memref<80x128xi32, #tpu.memory_space<vmem>>, %arg6: memref<2x640x64xf32, #tpu.memory_space<vmem>>, %arg7: memref<32x64xf32, #tpu.memory_space<vmem>>, %arg8: memref<2x!tpu.dma_semaphore, #tpu.memory_space<semaphore_mem>>) attributes {dimension_semantics = [#tpu.dimension_semantics<core_parallel>, #tpu.dimension_semantics<subcore_parallel>], iteration_bounds = array<i64: 2, 16>, scalar_prefetch = 0 : i64, scratch_operands = 4 : i64, tpu.core_type = #tpu.core_type<sc_vector_subcore>, window_params = [{transform_indices = #map}, {transform_indices = #map}, {transform_indices = #map}]} {
    %mul3A = arith.constant 2 : i32
    %mul3A_0 = arith.muli %arg1, %mul3A : i32
    %add3A = arith.addi %mul3A_0, %arg0 : i32
    %mul3A_1 = arith.constant 80 : i32
    %mul3A_2 = arith.muli %add3A, %mul3A_1 : i32
    "tpu.region"() ({
      %run_scoped3A = tpu.sem_alloc : memref<!tpu.dma_semaphore, #tpu.memory_space<semaphore_mem>>
      %dma_start3A_83 = arith.constant 0 : i32
      %dma_start3A_84 = tpu.memref_slice %arg3[%mul3A_2, %dma_start3A_83] : memref<2560x128xi32, #tpu.memory_space<hbm>> -> memref<80x128xi32, #tpu.memory_space<hbm>>
      %dma_start3A_85 = arith.constant 0 : i32
      %dma_start3A_86 = tpu.memref_slice %arg3[%mul3A_2, %dma_start3A_85] : memref<2560x128xi32, #tpu.memory_space<hbm>> -> memref<80x128xi32, #tpu.memory_space<hbm>>
      tpu.enqueue_dma source(%dma_start3A_86 : memref<80x128xi32, #tpu.memory_space<hbm>>) target(%arg5 : memref<80x128xi32, #tpu.memory_space<vmem>>) target_semaphore(%run_scoped3A : memref<!tpu.dma_semaphore, #tpu.memory_space<semaphore_mem>>)
      %dma_wait3A = arith.constant 0 : i32
      %dma_wait3A_87 = tpu.memref_slice %arg3[%mul3A_2, %dma_wait3A] : memref<2560x128xi32, #tpu.memory_space<hbm>> -> memref<80x128xi32, #tpu.memory_space<hbm>>
      %dma_wait3A_88 = arith.constant 0 : i32
      %dma_wait3A_89 = tpu.memref_slice %arg3[%mul3A_2, %dma_wait3A_88] : memref<2560x128xi32, #tpu.memory_space<hbm>> -> memref<80x128xi32, #tpu.memory_space<hbm>>
      tpu.wait_dma2 semaphore(%run_scoped3A : memref<!tpu.dma_semaphore, #tpu.memory_space<semaphore_mem>>) src(%dma_wait3A_89 : memref<80x128xi32, #tpu.memory_space<hbm>>) dst(%arg5 : memref<80x128xi32, #tpu.memory_space<vmem>>)
      tpu.yield
    }) : () -> ()
    %dma_start3A = arith.constant 0 : i32
    %dma_start3A_3 = arith.constant 0 : i32
    %dma_start3A_4 = arith.constant 0 : i32
    %dma_start3A_5 = arith.constant 0 : i32
    %dma_start3A_6 = arith.constant 0 : i32
    %dma_start3A_7 = tpu.memref_slice %arg6[%dma_start3A_3, %dma_start3A_5, %dma_start3A_6] : memref<2x640x64xf32, #tpu.memory_space<vmem>> -> memref<1x128x64xf32, #tpu.memory_space<vmem>>
    %dma_start3A_8 = tpu.memref_squeeze %dma_start3A_7 : memref<1x128x64xf32, #tpu.memory_space<vmem>> -> memref<128x64xf32, #tpu.memory_space<vmem>>
    %dma_start3A_9 = arith.constant 0 : i32
    %dma_start3A_10 = tpu.memref_slice %arg5[%dma_start3A, %dma_start3A_9] : memref<80x128xi32, #tpu.memory_space<vmem>> -> memref<1x128xi32, #tpu.memory_space<vmem>>
    %dma_start3A_11 = tpu.memref_squeeze %dma_start3A_10 : memref<1x128xi32, #tpu.memory_space<vmem>> -> memref<128xi32, #tpu.memory_space<vmem>>
    %dma_start3A_12 = arith.constant 0 : i32
    %dma_start3A_13 = arith.constant 0 : i32
    %dma_start3A_14 = tpu.memref_slice %arg2[%dma_start3A_12, %dma_start3A_13] : memref<1000000x64xf32, #tpu.memory_space<hbm>> -> memref<1000000x64xf32, #tpu.memory_space<hbm>>
    %dma_start3A_15 = tpu.memref_slice %arg8[%dma_start3A_4] : memref<2x!tpu.dma_semaphore, #tpu.memory_space<semaphore_mem>> -> memref<1x!tpu.dma_semaphore, #tpu.memory_space<semaphore_mem>>
    %dma_start3A_16 = tpu.memref_squeeze %dma_start3A_15 : memref<1x!tpu.dma_semaphore, #tpu.memory_space<semaphore_mem>> -> memref<!tpu.dma_semaphore, #tpu.memory_space<semaphore_mem>>
    tpu.enqueue_indirect_dma source(%dma_start3A_14 : memref<1000000x64xf32, #tpu.memory_space<hbm>>) target(%dma_start3A_8 : memref<128x64xf32, #tpu.memory_space<vmem>>) offsets(%dma_start3A_11 : memref<128xi32, #tpu.memory_space<vmem>>) semaphore(%dma_start3A_16 : memref<!tpu.dma_semaphore, #tpu.memory_space<semaphore_mem>>)
    %dma_start3A_17 = arith.constant 1 : i32
    %dma_start3A_18 = arith.constant 0 : i32
    %dma_start3A_19 = arith.constant 0 : i32
    %dma_start3A_20 = arith.constant 128 : i32
    %dma_start3A_21 = arith.constant 0 : i32
    %dma_start3A_22 = tpu.memref_slice %arg6[%dma_start3A_18, %dma_start3A_20, %dma_start3A_21] : memref<2x640x64xf32, #tpu.memory_space<vmem>> -> memref<1x128x64xf32, #tpu.memory_space<vmem>>
    %dma_start3A_23 = tpu.memref_squeeze %dma_start3A_22 : memref<1x128x64xf32, #tpu.memory_space<vmem>> -> memref<128x64xf32, #tpu.memory_space<vmem>>
    %dma_start3A_24 = arith.constant 0 : i32
    %dma_start3A_25 = tpu.memref_slice %arg5[%dma_start3A_17, %dma_start3A_24] : memref<80x128xi32, #tpu.memory_space<vmem>> -> memref<1x128xi32, #tpu.memory_space<vmem>>
    %dma_start3A_26 = tpu.memref_squeeze %dma_start3A_25 : memref<1x128xi32, #tpu.memory_space<vmem>> -> memref<128xi32, #tpu.memory_space<vmem>>
    %dma_start3A_27 = arith.constant 0 : i32
    %dma_start3A_28 = arith.constant 0 : i32
    %dma_start3A_29 = tpu.memref_slice %arg2[%dma_start3A_27, %dma_start3A_28] : memref<1000000x64xf32, #tpu.memory_space<hbm>> -> memref<1000000x64xf32, #tpu.memory_space<hbm>>
    %dma_start3A_30 = tpu.memref_slice %arg8[%dma_start3A_19] : memref<2x!tpu.dma_semaphore, #tpu.memory_space<semaphore_mem>> -> memref<1x!tpu.dma_semaphore, #tpu.memory_space<semaphore_mem>>
    %dma_start3A_31 = tpu.memref_squeeze %dma_start3A_30 : memref<1x!tpu.dma_semaphore, #tpu.memory_space<semaphore_mem>> -> memref<!tpu.dma_semaphore, #tpu.memory_space<semaphore_mem>>
    tpu.enqueue_indirect_dma source(%dma_start3A_29 : memref<1000000x64xf32, #tpu.memory_space<hbm>>) target(%dma_start3A_23 : memref<128x64xf32, #tpu.memory_space<vmem>>) offsets(%dma_start3A_26 : memref<128xi32, #tpu.memory_space<vmem>>) semaphore(%dma_start3A_31 : memref<!tpu.dma_semaphore, #tpu.memory_space<semaphore_mem>>)
    %dma_start3A_32 = arith.constant 2 : i32
    %dma_start3A_33 = arith.constant 0 : i32
    %dma_start3A_34 = arith.constant 0 : i32
    %dma_start3A_35 = arith.constant 256 : i32
    %dma_start3A_36 = arith.constant 0 : i32
    %dma_start3A_37 = tpu.memref_slice %arg6[%dma_start3A_33, %dma_start3A_35, %dma_start3A_36] : memref<2x640x64xf32, #tpu.memory_space<vmem>> -> memref<1x128x64xf32, #tpu.memory_space<vmem>>
    %dma_start3A_38 = tpu.memref_squeeze %dma_start3A_37 : memref<1x128x64xf32, #tpu.memory_space<vmem>> -> memref<128x64xf32, #tpu.memory_space<vmem>>
    %dma_start3A_39 = arith.constant 0 : i32
    %dma_start3A_40 = tpu.memref_slice %arg5[%dma_start3A_32, %dma_start3A_39] : memref<80x128xi32, #tpu.memory_space<vmem>> -> memref<1x128xi32, #tpu.memory_space<vmem>>
    %dma_start3A_41 = tpu.memref_squeeze %dma_start3A_40 : memref<1x128xi32, #tpu.memory_space<vmem>> -> memref<128xi32, #tpu.memory_space<vmem>>
    %dma_start3A_42 = arith.constant 0 : i32
    %dma_start3A_43 = arith.constant 0 : i32
    %dma_start3A_44 = tpu.memref_slice %arg2[%dma_start3A_42, %dma_start3A_43] : memref<1000000x64xf32, #tpu.memory_space<hbm>> -> memref<1000000x64xf32, #tpu.memory_space<hbm>>
    %dma_start3A_45 = tpu.memref_slice %arg8[%dma_start3A_34] : memref<2x!tpu.dma_semaphore, #tpu.memory_space<semaphore_mem>> -> memref<1x!tpu.dma_semaphore, #tpu.memory_space<semaphore_mem>>
    %dma_start3A_46 = tpu.memref_squeeze %dma_start3A_45 : memref<1x!tpu.dma_semaphore, #tpu.memory_space<semaphore_mem>> -> memref<!tpu.dma_semaphore, #tpu.memory_space<semaphore_mem>>
    tpu.enqueue_indirect_dma source(%dma_start3A_44 : memref<1000000x64xf32, #tpu.memory_space<hbm>>) target(%dma_start3A_38 : memref<128x64xf32, #tpu.memory_space<vmem>>) offsets(%dma_start3A_41 : memref<128xi32, #tpu.memory_space<vmem>>) semaphore(%dma_start3A_46 : memref<!tpu.dma_semaphore, #tpu.memory_space<semaphore_mem>>)
    %dma_start3A_47 = arith.constant 3 : i32
    %dma_start3A_48 = arith.constant 0 : i32
    %dma_start3A_49 = arith.constant 0 : i32
    %dma_start3A_50 = arith.constant 384 : i32
    %dma_start3A_51 = arith.constant 0 : i32
    %dma_start3A_52 = tpu.memref_slice %arg6[%dma_start3A_48, %dma_start3A_50, %dma_start3A_51] : memref<2x640x64xf32, #tpu.memory_space<vmem>> -> memref<1x128x64xf32, #tpu.memory_space<vmem>>
    %dma_start3A_53 = tpu.memref_squeeze %dma_start3A_52 : memref<1x128x64xf32, #tpu.memory_space<vmem>> -> memref<128x64xf32, #tpu.memory_space<vmem>>
    %dma_start3A_54 = arith.constant 0 : i32
    %dma_start3A_55 = tpu.memref_slice %arg5[%dma_start3A_47, %dma_start3A_54] : memref<80x128xi32, #tpu.memory_space<vmem>> -> memref<1x128xi32, #tpu.memory_space<vmem>>
    %dma_start3A_56 = tpu.memref_squeeze %dma_start3A_55 : memref<1x128xi32, #tpu.memory_space<vmem>> -> memref<128xi32, #tpu.memory_space<vmem>>
    %dma_start3A_57 = arith.constant 0 : i32
    %dma_start3A_58 = arith.constant 0 : i32
    %dma_start3A_59 = tpu.memref_slice %arg2[%dma_start3A_57, %dma_start3A_58] : memref<1000000x64xf32, #tpu.memory_space<hbm>> -> memref<1000000x64xf32, #tpu.memory_space<hbm>>
    %dma_start3A_60 = tpu.memref_slice %arg8[%dma_start3A_49] : memref<2x!tpu.dma_semaphore, #tpu.memory_space<semaphore_mem>> -> memref<1x!tpu.dma_semaphore, #tpu.memory_space<semaphore_mem>>
    %dma_start3A_61 = tpu.memref_squeeze %dma_start3A_60 : memref<1x!tpu.dma_semaphore, #tpu.memory_space<semaphore_mem>> -> memref<!tpu.dma_semaphore, #tpu.memory_space<semaphore_mem>>
    tpu.enqueue_indirect_dma source(%dma_start3A_59 : memref<1000000x64xf32, #tpu.memory_space<hbm>>) target(%dma_start3A_53 : memref<128x64xf32, #tpu.memory_space<vmem>>) offsets(%dma_start3A_56 : memref<128xi32, #tpu.memory_space<vmem>>) semaphore(%dma_start3A_61 : memref<!tpu.dma_semaphore, #tpu.memory_space<semaphore_mem>>)
    %dma_start3A_62 = arith.constant 4 : i32
    %dma_start3A_63 = arith.constant 0 : i32
    %dma_start3A_64 = arith.constant 0 : i32
    %dma_start3A_65 = arith.constant 512 : i32
    %dma_start3A_66 = arith.constant 0 : i32
    %dma_start3A_67 = tpu.memref_slice %arg6[%dma_start3A_63, %dma_start3A_65, %dma_start3A_66] : memref<2x640x64xf32, #tpu.memory_space<vmem>> -> memref<1x128x64xf32, #tpu.memory_space<vmem>>
    %dma_start3A_68 = tpu.memref_squeeze %dma_start3A_67 : memref<1x128x64xf32, #tpu.memory_space<vmem>> -> memref<128x64xf32, #tpu.memory_space<vmem>>
    %dma_start3A_69 = arith.constant 0 : i32
    %dma_start3A_70 = tpu.memref_slice %arg5[%dma_start3A_62, %dma_start3A_69] : memref<80x128xi32, #tpu.memory_space<vmem>> -> memref<1x128xi32, #tpu.memory_space<vmem>>
    %dma_start3A_71 = tpu.memref_squeeze %dma_start3A_70 : memref<1x128xi32, #tpu.memory_space<vmem>> -> memref<128xi32, #tpu.memory_space<vmem>>
    %dma_start3A_72 = arith.constant 0 : i32
    %dma_start3A_73 = arith.constant 0 : i32
    %dma_start3A_74 = tpu.memref_slice %arg2[%dma_start3A_72, %dma_start3A_73] : memref<1000000x64xf32, #tpu.memory_space<hbm>> -> memref<1000000x64xf32, #tpu.memory_space<hbm>>
    %dma_start3A_75 = tpu.memref_slice %arg8[%dma_start3A_64] : memref<2x!tpu.dma_semaphore, #tpu.memory_space<semaphore_mem>> -> memref<1x!tpu.dma_semaphore, #tpu.memory_space<semaphore_mem>>
    %dma_start3A_76 = tpu.memref_squeeze %dma_start3A_75 : memref<1x!tpu.dma_semaphore, #tpu.memory_space<semaphore_mem>> -> memref<!tpu.dma_semaphore, #tpu.memory_space<semaphore_mem>>
    tpu.enqueue_indirect_dma source(%dma_start3A_74 : memref<1000000x64xf32, #tpu.memory_space<hbm>>) target(%dma_start3A_68 : memref<128x64xf32, #tpu.memory_space<vmem>>) offsets(%dma_start3A_71 : memref<128xi32, #tpu.memory_space<vmem>>) semaphore(%dma_start3A_76 : memref<!tpu.dma_semaphore, #tpu.memory_space<semaphore_mem>>)
    %scan3A = arith.constant 0 : i32
    %scan3A_77 = arith.constant 0 : i32
    %scan3A_78 = arith.constant 16 : i32
    %scan3A_79 = arith.addi %scan3A_77, %scan3A_78 : i32
    %scan3A_80 = arith.constant 1 : i32
    %scan3A_81 = scf.for %scan3A_83 = %scan3A_77 to %scan3A_79 step %scan3A_80 iter_args(%scan3A_84 = %scan3A) -> (i32)  : i32 {
      %rem3A = arith.constant 2 : i32
      %rem3A_85 = arith.remsi %scan3A_83, %rem3A : i32
      %sub3A = arith.constant 1 : i32
      %sub3A_86 = arith.subi %sub3A, %rem3A_85 : i32
      %add3A_87 = arith.constant 1 : i32
      %add3A_88 = arith.addi %scan3A_83, %add3A_87 : i32
      %lt3A = arith.constant 16 : i32
      %lt3A_89 = arith.cmpi slt, %add3A_88, %lt3A : i32
      %convert_element_type3A = arith.extui %lt3A_89 : i1 to i32
      %cond3A = arith.constant 0 : i32
      %cond3A_90 = arith.cmpi ne, %convert_element_type3A, %cond3A : i32
      scf.if %cond3A_90 {
        %add3A_183 = arith.constant 1 : i32
        %add3A_184 = arith.addi %scan3A_83, %add3A_183 : i32
        %mul3A_185 = arith.constant 5 : i32
        %mul3A_186 = arith.muli %add3A_184, %mul3A_185 : i32
        %add3A_187 = arith.constant 0 : i32
        %add3A_188 = arith.addi %mul3A_186, %add3A_187 : i32
        %dma_start3A_189 = arith.constant 0 : i32
        %dma_start3A_190 = arith.constant 0 : i32
        %dma_start3A_191 = tpu.memref_slice %arg6[%sub3A_86, %dma_start3A_189, %dma_start3A_190] : memref<2x640x64xf32, #tpu.memory_space<vmem>> -> memref<1x128x64xf32, #tpu.memory_space<vmem>>
        %dma_start3A_192 = tpu.memref_squeeze %dma_start3A_191 : memref<1x128x64xf32, #tpu.memory_space<vmem>> -> memref<128x64xf32, #tpu.memory_space<vmem>>
        %dma_start3A_193 = arith.constant 0 : i32
        %dma_start3A_194 = tpu.memref_slice %arg5[%add3A_188, %dma_start3A_193] : memref<80x128xi32, #tpu.memory_space<vmem>> -> memref<1x128xi32, #tpu.memory_space<vmem>>
        %dma_start3A_195 = tpu.memref_squeeze %dma_start3A_194 : memref<1x128xi32, #tpu.memory_space<vmem>> -> memref<128xi32, #tpu.memory_space<vmem>>
        %dma_start3A_196 = arith.constant 0 : i32
        %dma_start3A_197 = arith.constant 0 : i32
        %dma_start3A_198 = tpu.memref_slice %arg2[%dma_start3A_196, %dma_start3A_197] : memref<1000000x64xf32, #tpu.memory_space<hbm>> -> memref<1000000x64xf32, #tpu.memory_space<hbm>>
        %dma_start3A_199 = tpu.memref_slice %arg8[%sub3A_86] : memref<2x!tpu.dma_semaphore, #tpu.memory_space<semaphore_mem>> -> memref<1x!tpu.dma_semaphore, #tpu.memory_space<semaphore_mem>>
        %dma_start3A_200 = tpu.memref_squeeze %dma_start3A_199 : memref<1x!tpu.dma_semaphore, #tpu.memory_space<semaphore_mem>> -> memref<!tpu.dma_semaphore, #tpu.memory_space<semaphore_mem>>
        tpu.enqueue_indirect_dma source(%dma_start3A_198 : memref<1000000x64xf32, #tpu.memory_space<hbm>>) target(%dma_start3A_192 : memref<128x64xf32, #tpu.memory_space<vmem>>) offsets(%dma_start3A_195 : memref<128xi32, #tpu.memory_space<vmem>>) semaphore(%dma_start3A_200 : memref<!tpu.dma_semaphore, #tpu.memory_space<semaphore_mem>>)
        %mul3A_201 = arith.constant 5 : i32
        %mul3A_202 = arith.muli %add3A_184, %mul3A_201 : i32
        %add3A_203 = arith.constant 1 : i32
        %add3A_204 = arith.addi %mul3A_202, %add3A_203 : i32
        %dma_start3A_205 = arith.constant 128 : i32
        %dma_start3A_206 = arith.constant 0 : i32
        %dma_start3A_207 = tpu.memref_slice %arg6[%sub3A_86, %dma_start3A_205, %dma_start3A_206] : memref<2x640x64xf32, #tpu.memory_space<vmem>> -> memref<1x128x64xf32, #tpu.memory_space<vmem>>
        %dma_start3A_208 = tpu.memref_squeeze %dma_start3A_207 : memref<1x128x64xf32, #tpu.memory_space<vmem>> -> memref<128x64xf32, #tpu.memory_space<vmem>>
        %dma_start3A_209 = arith.constant 0 : i32
        %dma_start3A_210 = tpu.memref_slice %arg5[%add3A_204, %dma_start3A_209] : memref<80x128xi32, #tpu.memory_space<vmem>> -> memref<1x128xi32, #tpu.memory_space<vmem>>
        %dma_start3A_211 = tpu.memref_squeeze %dma_start3A_210 : memref<1x128xi32, #tpu.memory_space<vmem>> -> memref<128xi32, #tpu.memory_space<vmem>>
        %dma_start3A_212 = arith.constant 0 : i32
        %dma_start3A_213 = arith.constant 0 : i32
        %dma_start3A_214 = tpu.memref_slice %arg2[%dma_start3A_212, %dma_start3A_213] : memref<1000000x64xf32, #tpu.memory_space<hbm>> -> memref<1000000x64xf32, #tpu.memory_space<hbm>>
        %dma_start3A_215 = tpu.memref_slice %arg8[%sub3A_86] : memref<2x!tpu.dma_semaphore, #tpu.memory_space<semaphore_mem>> -> memref<1x!tpu.dma_semaphore, #tpu.memory_space<semaphore_mem>>
        %dma_start3A_216 = tpu.memref_squeeze %dma_start3A_215 : memref<1x!tpu.dma_semaphore, #tpu.memory_space<semaphore_mem>> -> memref<!tpu.dma_semaphore, #tpu.memory_space<semaphore_mem>>
        tpu.enqueue_indirect_dma source(%dma_start3A_214 : memref<1000000x64xf32, #tpu.memory_space<hbm>>) target(%dma_start3A_208 : memref<128x64xf32, #tpu.memory_space<vmem>>) offsets(%dma_start3A_211 : memref<128xi32, #tpu.memory_space<vmem>>) semaphore(%dma_start3A_216 : memref<!tpu.dma_semaphore, #tpu.memory_space<semaphore_mem>>)
        %mul3A_217 = arith.constant 5 : i32
        %mul3A_218 = arith.muli %add3A_184, %mul3A_217 : i32
        %add3A_219 = arith.constant 2 : i32
        %add3A_220 = arith.addi %mul3A_218, %add3A_219 : i32
        %dma_start3A_221 = arith.constant 256 : i32
        %dma_start3A_222 = arith.constant 0 : i32
        %dma_start3A_223 = tpu.memref_slice %arg6[%sub3A_86, %dma_start3A_221, %dma_start3A_222] : memref<2x640x64xf32, #tpu.memory_space<vmem>> -> memref<1x128x64xf32, #tpu.memory_space<vmem>>
        %dma_start3A_224 = tpu.memref_squeeze %dma_start3A_223 : memref<1x128x64xf32, #tpu.memory_space<vmem>> -> memref<128x64xf32, #tpu.memory_space<vmem>>
        %dma_start3A_225 = arith.constant 0 : i32
        %dma_start3A_226 = tpu.memref_slice %arg5[%add3A_220, %dma_start3A_225] : memref<80x128xi32, #tpu.memory_space<vmem>> -> memref<1x128xi32, #tpu.memory_space<vmem>>
        %dma_start3A_227 = tpu.memref_squeeze %dma_start3A_226 : memref<1x128xi32, #tpu.memory_space<vmem>> -> memref<128xi32, #tpu.memory_space<vmem>>
        %dma_start3A_228 = arith.constant 0 : i32
        %dma_start3A_229 = arith.constant 0 : i32
        %dma_start3A_230 = tpu.memref_slice %arg2[%dma_start3A_228, %dma_start3A_229] : memref<1000000x64xf32, #tpu.memory_space<hbm>> -> memref<1000000x64xf32, #tpu.memory_space<hbm>>
        %dma_start3A_231 = tpu.memref_slice %arg8[%sub3A_86] : memref<2x!tpu.dma_semaphore, #tpu.memory_space<semaphore_mem>> -> memref<1x!tpu.dma_semaphore, #tpu.memory_space<semaphore_mem>>
        %dma_start3A_232 = tpu.memref_squeeze %dma_start3A_231 : memref<1x!tpu.dma_semaphore, #tpu.memory_space<semaphore_mem>> -> memref<!tpu.dma_semaphore, #tpu.memory_space<semaphore_mem>>
        tpu.enqueue_indirect_dma source(%dma_start3A_230 : memref<1000000x64xf32, #tpu.memory_space<hbm>>) target(%dma_start3A_224 : memref<128x64xf32, #tpu.memory_space<vmem>>) offsets(%dma_start3A_227 : memref<128xi32, #tpu.memory_space<vmem>>) semaphore(%dma_start3A_232 : memref<!tpu.dma_semaphore, #tpu.memory_space<semaphore_mem>>)
        %mul3A_233 = arith.constant 5 : i32
        %mul3A_234 = arith.muli %add3A_184, %mul3A_233 : i32
        %add3A_235 = arith.constant 3 : i32
        %add3A_236 = arith.addi %mul3A_234, %add3A_235 : i32
        %dma_start3A_237 = arith.constant 384 : i32
        %dma_start3A_238 = arith.constant 0 : i32
        %dma_start3A_239 = tpu.memref_slice %arg6[%sub3A_86, %dma_start3A_237, %dma_start3A_238] : memref<2x640x64xf32, #tpu.memory_space<vmem>> -> memref<1x128x64xf32, #tpu.memory_space<vmem>>
        %dma_start3A_240 = tpu.memref_squeeze %dma_start3A_239 : memref<1x128x64xf32, #tpu.memory_space<vmem>> -> memref<128x64xf32, #tpu.memory_space<vmem>>
        %dma_start3A_241 = arith.constant 0 : i32
        %dma_start3A_242 = tpu.memref_slice %arg5[%add3A_236, %dma_start3A_241] : memref<80x128xi32, #tpu.memory_space<vmem>> -> memref<1x128xi32, #tpu.memory_space<vmem>>
        %dma_start3A_243 = tpu.memref_squeeze %dma_start3A_242 : memref<1x128xi32, #tpu.memory_space<vmem>> -> memref<128xi32, #tpu.memory_space<vmem>>
        %dma_start3A_244 = arith.constant 0 : i32
        %dma_start3A_245 = arith.constant 0 : i32
        %dma_start3A_246 = tpu.memref_slice %arg2[%dma_start3A_244, %dma_start3A_245] : memref<1000000x64xf32, #tpu.memory_space<hbm>> -> memref<1000000x64xf32, #tpu.memory_space<hbm>>
        %dma_start3A_247 = tpu.memref_slice %arg8[%sub3A_86] : memref<2x!tpu.dma_semaphore, #tpu.memory_space<semaphore_mem>> -> memref<1x!tpu.dma_semaphore, #tpu.memory_space<semaphore_mem>>
        %dma_start3A_248 = tpu.memref_squeeze %dma_start3A_247 : memref<1x!tpu.dma_semaphore, #tpu.memory_space<semaphore_mem>> -> memref<!tpu.dma_semaphore, #tpu.memory_space<semaphore_mem>>
        tpu.enqueue_indirect_dma source(%dma_start3A_246 : memref<1000000x64xf32, #tpu.memory_space<hbm>>) target(%dma_start3A_240 : memref<128x64xf32, #tpu.memory_space<vmem>>) offsets(%dma_start3A_243 : memref<128xi32, #tpu.memory_space<vmem>>) semaphore(%dma_start3A_248 : memref<!tpu.dma_semaphore, #tpu.memory_space<semaphore_mem>>)
        %mul3A_249 = arith.constant 5 : i32
        %mul3A_250 = arith.muli %add3A_184, %mul3A_249 : i32
        %add3A_251 = arith.constant 4 : i32
        %add3A_252 = arith.addi %mul3A_250, %add3A_251 : i32
        %dma_start3A_253 = arith.constant 512 : i32
        %dma_start3A_254 = arith.constant 0 : i32
        %dma_start3A_255 = tpu.memref_slice %arg6[%sub3A_86, %dma_start3A_253, %dma_start3A_254] : memref<2x640x64xf32, #tpu.memory_space<vmem>> -> memref<1x128x64xf32, #tpu.memory_space<vmem>>
        %dma_start3A_256 = tpu.memref_squeeze %dma_start3A_255 : memref<1x128x64xf32, #tpu.memory_space<vmem>> -> memref<128x64xf32, #tpu.memory_space<vmem>>
        %dma_start3A_257 = arith.constant 0 : i32
        %dma_start3A_258 = tpu.memref_slice %arg5[%add3A_252, %dma_start3A_257] : memref<80x128xi32, #tpu.memory_space<vmem>> -> memref<1x128xi32, #tpu.memory_space<vmem>>
        %dma_start3A_259 = tpu.memref_squeeze %dma_start3A_258 : memref<1x128xi32, #tpu.memory_space<vmem>> -> memref<128xi32, #tpu.memory_space<vmem>>
        %dma_start3A_260 = arith.constant 0 : i32
        %dma_start3A_261 = arith.constant 0 : i32
        %dma_start3A_262 = tpu.memref_slice %arg2[%dma_start3A_260, %dma_start3A_261] : memref<1000000x64xf32, #tpu.memory_space<hbm>> -> memref<1000000x64xf32, #tpu.memory_space<hbm>>
        %dma_start3A_263 = tpu.memref_slice %arg8[%sub3A_86] : memref<2x!tpu.dma_semaphore, #tpu.memory_space<semaphore_mem>> -> memref<1x!tpu.dma_semaphore, #tpu.memory_space<semaphore_mem>>
        %dma_start3A_264 = tpu.memref_squeeze %dma_start3A_263 : memref<1x!tpu.dma_semaphore, #tpu.memory_space<semaphore_mem>> -> memref<!tpu.dma_semaphore, #tpu.memory_space<semaphore_mem>>
        tpu.enqueue_indirect_dma source(%dma_start3A_262 : memref<1000000x64xf32, #tpu.memory_space<hbm>>) target(%dma_start3A_256 : memref<128x64xf32, #tpu.memory_space<vmem>>) offsets(%dma_start3A_259 : memref<128xi32, #tpu.memory_space<vmem>>) semaphore(%dma_start3A_264 : memref<!tpu.dma_semaphore, #tpu.memory_space<semaphore_mem>>)
      } else {
      }
      %mul3A_91 = arith.constant 5 : i32
      %mul3A_92 = arith.muli %scan3A_83, %mul3A_91 : i32
      %add3A_93 = arith.constant 0 : i32
      %add3A_94 = arith.addi %mul3A_92, %add3A_93 : i32
      %dma_wait3A = arith.constant 0 : i32
      %dma_wait3A_95 = arith.constant 0 : i32
      %dma_wait3A_96 = tpu.memref_slice %arg6[%rem3A_85, %dma_wait3A, %dma_wait3A_95] : memref<2x640x64xf32, #tpu.memory_space<vmem>> -> memref<1x128x64xf32, #tpu.memory_space<vmem>>
      %dma_wait3A_97 = tpu.memref_squeeze %dma_wait3A_96 : memref<1x128x64xf32, #tpu.memory_space<vmem>> -> memref<128x64xf32, #tpu.memory_space<vmem>>
      %dma_wait3A_98 = arith.constant 0 : i32
      %dma_wait3A_99 = tpu.memref_slice %arg5[%add3A_94, %dma_wait3A_98] : memref<80x128xi32, #tpu.memory_space<vmem>> -> memref<1x128xi32, #tpu.memory_space<vmem>>
      %dma_wait3A_100 = tpu.memref_squeeze %dma_wait3A_99 : memref<1x128xi32, #tpu.memory_space<vmem>> -> memref<128xi32, #tpu.memory_space<vmem>>
      %dma_wait3A_101 = arith.constant 0 : i32
      %dma_wait3A_102 = arith.constant 0 : i32
      %dma_wait3A_103 = tpu.memref_slice %arg2[%dma_wait3A_101, %dma_wait3A_102] : memref<1000000x64xf32, #tpu.memory_space<hbm>> -> memref<1000000x64xf32, #tpu.memory_space<hbm>>
      %dma_wait3A_104 = tpu.memref_slice %arg8[%rem3A_85] : memref<2x!tpu.dma_semaphore, #tpu.memory_space<semaphore_mem>> -> memref<1x!tpu.dma_semaphore, #tpu.memory_space<semaphore_mem>>
      %dma_wait3A_105 = tpu.memref_squeeze %dma_wait3A_104 : memref<1x!tpu.dma_semaphore, #tpu.memory_space<semaphore_mem>> -> memref<!tpu.dma_semaphore, #tpu.memory_space<semaphore_mem>>
      tpu.wait_indirect_dma semaphore(%dma_wait3A_105 : memref<!tpu.dma_semaphore, #tpu.memory_space<semaphore_mem>>) src(%dma_wait3A_103 : memref<1000000x64xf32, #tpu.memory_space<hbm>>) dst(%dma_wait3A_97 : memref<128x64xf32, #tpu.memory_space<vmem>>)
      %mul3A_106 = arith.constant 5 : i32
      %mul3A_107 = arith.muli %scan3A_83, %mul3A_106 : i32
      %add3A_108 = arith.constant 1 : i32
      %add3A_109 = arith.addi %mul3A_107, %add3A_108 : i32
      %dma_wait3A_110 = arith.constant 128 : i32
      %dma_wait3A_111 = arith.constant 0 : i32
      %dma_wait3A_112 = tpu.memref_slice %arg6[%rem3A_85, %dma_wait3A_110, %dma_wait3A_111] : memref<2x640x64xf32, #tpu.memory_space<vmem>> -> memref<1x128x64xf32, #tpu.memory_space<vmem>>
      %dma_wait3A_113 = tpu.memref_squeeze %dma_wait3A_112 : memref<1x128x64xf32, #tpu.memory_space<vmem>> -> memref<128x64xf32, #tpu.memory_space<vmem>>
      %dma_wait3A_114 = arith.constant 0 : i32
      %dma_wait3A_115 = tpu.memref_slice %arg5[%add3A_109, %dma_wait3A_114] : memref<80x128xi32, #tpu.memory_space<vmem>> -> memref<1x128xi32, #tpu.memory_space<vmem>>
      %dma_wait3A_116 = tpu.memref_squeeze %dma_wait3A_115 : memref<1x128xi32, #tpu.memory_space<vmem>> -> memref<128xi32, #tpu.memory_space<vmem>>
      %dma_wait3A_117 = arith.constant 0 : i32
      %dma_wait3A_118 = arith.constant 0 : i32
      %dma_wait3A_119 = tpu.memref_slice %arg2[%dma_wait3A_117, %dma_wait3A_118] : memref<1000000x64xf32, #tpu.memory_space<hbm>> -> memref<1000000x64xf32, #tpu.memory_space<hbm>>
      %dma_wait3A_120 = tpu.memref_slice %arg8[%rem3A_85] : memref<2x!tpu.dma_semaphore, #tpu.memory_space<semaphore_mem>> -> memref<1x!tpu.dma_semaphore, #tpu.memory_space<semaphore_mem>>
      %dma_wait3A_121 = tpu.memref_squeeze %dma_wait3A_120 : memref<1x!tpu.dma_semaphore, #tpu.memory_space<semaphore_mem>> -> memref<!tpu.dma_semaphore, #tpu.memory_space<semaphore_mem>>
      tpu.wait_indirect_dma semaphore(%dma_wait3A_121 : memref<!tpu.dma_semaphore, #tpu.memory_space<semaphore_mem>>) src(%dma_wait3A_119 : memref<1000000x64xf32, #tpu.memory_space<hbm>>) dst(%dma_wait3A_113 : memref<128x64xf32, #tpu.memory_space<vmem>>)
      %mul3A_122 = arith.constant 5 : i32
      %mul3A_123 = arith.muli %scan3A_83, %mul3A_122 : i32
      %add3A_124 = arith.constant 2 : i32
      %add3A_125 = arith.addi %mul3A_123, %add3A_124 : i32
      %dma_wait3A_126 = arith.constant 256 : i32
      %dma_wait3A_127 = arith.constant 0 : i32
      %dma_wait3A_128 = tpu.memref_slice %arg6[%rem3A_85, %dma_wait3A_126, %dma_wait3A_127] : memref<2x640x64xf32, #tpu.memory_space<vmem>> -> memref<1x128x64xf32, #tpu.memory_space<vmem>>
      %dma_wait3A_129 = tpu.memref_squeeze %dma_wait3A_128 : memref<1x128x64xf32, #tpu.memory_space<vmem>> -> memref<128x64xf32, #tpu.memory_space<vmem>>
      %dma_wait3A_130 = arith.constant 0 : i32
      %dma_wait3A_131 = tpu.memref_slice %arg5[%add3A_125, %dma_wait3A_130] : memref<80x128xi32, #tpu.memory_space<vmem>> -> memref<1x128xi32, #tpu.memory_space<vmem>>
      %dma_wait3A_132 = tpu.memref_squeeze %dma_wait3A_131 : memref<1x128xi32, #tpu.memory_space<vmem>> -> memref<128xi32, #tpu.memory_space<vmem>>
      %dma_wait3A_133 = arith.constant 0 : i32
      %dma_wait3A_134 = arith.constant 0 : i32
      %dma_wait3A_135 = tpu.memref_slice %arg2[%dma_wait3A_133, %dma_wait3A_134] : memref<1000000x64xf32, #tpu.memory_space<hbm>> -> memref<1000000x64xf32, #tpu.memory_space<hbm>>
      %dma_wait3A_136 = tpu.memref_slice %arg8[%rem3A_85] : memref<2x!tpu.dma_semaphore, #tpu.memory_space<semaphore_mem>> -> memref<1x!tpu.dma_semaphore, #tpu.memory_space<semaphore_mem>>
      %dma_wait3A_137 = tpu.memref_squeeze %dma_wait3A_136 : memref<1x!tpu.dma_semaphore, #tpu.memory_space<semaphore_mem>> -> memref<!tpu.dma_semaphore, #tpu.memory_space<semaphore_mem>>
      tpu.wait_indirect_dma semaphore(%dma_wait3A_137 : memref<!tpu.dma_semaphore, #tpu.memory_space<semaphore_mem>>) src(%dma_wait3A_135 : memref<1000000x64xf32, #tpu.memory_space<hbm>>) dst(%dma_wait3A_129 : memref<128x64xf32, #tpu.memory_space<vmem>>)
      %mul3A_138 = arith.constant 5 : i32
      %mul3A_139 = arith.muli %scan3A_83, %mul3A_138 : i32
      %add3A_140 = arith.constant 3 : i32
      %add3A_141 = arith.addi %mul3A_139, %add3A_140 : i32
      %dma_wait3A_142 = arith.constant 384 : i32
      %dma_wait3A_143 = arith.constant 0 : i32
      %dma_wait3A_144 = tpu.memref_slice %arg6[%rem3A_85, %dma_wait3A_142, %dma_wait3A_143] : memref<2x640x64xf32, #tpu.memory_space<vmem>> -> memref<1x128x64xf32, #tpu.memory_space<vmem>>
      %dma_wait3A_145 = tpu.memref_squeeze %dma_wait3A_144 : memref<1x128x64xf32, #tpu.memory_space<vmem>> -> memref<128x64xf32, #tpu.memory_space<vmem>>
      %dma_wait3A_146 = arith.constant 0 : i32
      %dma_wait3A_147 = tpu.memref_slice %arg5[%add3A_141, %dma_wait3A_146] : memref<80x128xi32, #tpu.memory_space<vmem>> -> memref<1x128xi32, #tpu.memory_space<vmem>>
      %dma_wait3A_148 = tpu.memref_squeeze %dma_wait3A_147 : memref<1x128xi32, #tpu.memory_space<vmem>> -> memref<128xi32, #tpu.memory_space<vmem>>
      %dma_wait3A_149 = arith.constant 0 : i32
      %dma_wait3A_150 = arith.constant 0 : i32
      %dma_wait3A_151 = tpu.memref_slice %arg2[%dma_wait3A_149, %dma_wait3A_150] : memref<1000000x64xf32, #tpu.memory_space<hbm>> -> memref<1000000x64xf32, #tpu.memory_space<hbm>>
      %dma_wait3A_152 = tpu.memref_slice %arg8[%rem3A_85] : memref<2x!tpu.dma_semaphore, #tpu.memory_space<semaphore_mem>> -> memref<1x!tpu.dma_semaphore, #tpu.memory_space<semaphore_mem>>
      %dma_wait3A_153 = tpu.memref_squeeze %dma_wait3A_152 : memref<1x!tpu.dma_semaphore, #tpu.memory_space<semaphore_mem>> -> memref<!tpu.dma_semaphore, #tpu.memory_space<semaphore_mem>>
      tpu.wait_indirect_dma semaphore(%dma_wait3A_153 : memref<!tpu.dma_semaphore, #tpu.memory_space<semaphore_mem>>) src(%dma_wait3A_151 : memref<1000000x64xf32, #tpu.memory_space<hbm>>) dst(%dma_wait3A_145 : memref<128x64xf32, #tpu.memory_space<vmem>>)
      %mul3A_154 = arith.constant 5 : i32
      %mul3A_155 = arith.muli %scan3A_83, %mul3A_154 : i32
      %add3A_156 = arith.constant 4 : i32
      %add3A_157 = arith.addi %mul3A_155, %add3A_156 : i32
      %dma_wait3A_158 = arith.constant 512 : i32
      %dma_wait3A_159 = arith.constant 0 : i32
      %dma_wait3A_160 = tpu.memref_slice %arg6[%rem3A_85, %dma_wait3A_158, %dma_wait3A_159] : memref<2x640x64xf32, #tpu.memory_space<vmem>> -> memref<1x128x64xf32, #tpu.memory_space<vmem>>
      %dma_wait3A_161 = tpu.memref_squeeze %dma_wait3A_160 : memref<1x128x64xf32, #tpu.memory_space<vmem>> -> memref<128x64xf32, #tpu.memory_space<vmem>>
      %dma_wait3A_162 = arith.constant 0 : i32
      %dma_wait3A_163 = tpu.memref_slice %arg5[%add3A_157, %dma_wait3A_162] : memref<80x128xi32, #tpu.memory_space<vmem>> -> memref<1x128xi32, #tpu.memory_space<vmem>>
      %dma_wait3A_164 = tpu.memref_squeeze %dma_wait3A_163 : memref<1x128xi32, #tpu.memory_space<vmem>> -> memref<128xi32, #tpu.memory_space<vmem>>
      %dma_wait3A_165 = arith.constant 0 : i32
      %dma_wait3A_166 = arith.constant 0 : i32
      %dma_wait3A_167 = tpu.memref_slice %arg2[%dma_wait3A_165, %dma_wait3A_166] : memref<1000000x64xf32, #tpu.memory_space<hbm>> -> memref<1000000x64xf32, #tpu.memory_space<hbm>>
      %dma_wait3A_168 = tpu.memref_slice %arg8[%rem3A_85] : memref<2x!tpu.dma_semaphore, #tpu.memory_space<semaphore_mem>> -> memref<1x!tpu.dma_semaphore, #tpu.memory_space<semaphore_mem>>
      %dma_wait3A_169 = tpu.memref_squeeze %dma_wait3A_168 : memref<1x!tpu.dma_semaphore, #tpu.memory_space<semaphore_mem>> -> memref<!tpu.dma_semaphore, #tpu.memory_space<semaphore_mem>>
      tpu.wait_indirect_dma semaphore(%dma_wait3A_169 : memref<!tpu.dma_semaphore, #tpu.memory_space<semaphore_mem>>) src(%dma_wait3A_167 : memref<1000000x64xf32, #tpu.memory_space<hbm>>) dst(%dma_wait3A_161 : memref<128x64xf32, #tpu.memory_space<vmem>>)
      %scan3A_170 = arith.constant 0 : i32
      %scan3A_171 = arith.constant 0 : i32
      %scan3A_172 = arith.constant 32 : i32
      %scan3A_173 = arith.addi %scan3A_171, %scan3A_172 : i32
      %scan3A_174 = arith.constant 1 : i32
      %scan3A_175 = scf.for %scan3A_183 = %scan3A_171 to %scan3A_173 step %scan3A_174 iter_args(%scan3A_184 = %scan3A_170) -> (i32)  : i32 {
        %mul3A_185 = arith.constant 20 : i32
        %mul3A_186 = arith.muli %scan3A_183, %mul3A_185 : i32
        %get3A = arith.index_cast %rem3A_85 : i32 to index
        %get3A_187 = arith.index_cast %mul3A_186 : i32 to index
        %get3A_188 = arith.constant 0 : index
        %get3A_189 = tpu.vector_load %arg6[%get3A, %get3A_187, %get3A_188] {strides = array<i32>} : memref<2x640x64xf32, #tpu.memory_space<vmem>>, vector<1x1x16xf32>,
        %get3A_190 = vector.shape_cast %get3A_189 : vector<1x1x16xf32> to vector<16xf32>
        %add3A_191 = arith.constant 1 : i32
        %add3A_192 = arith.addi %mul3A_186, %add3A_191 : i32
        %get3A_193 = arith.index_cast %rem3A_85 : i32 to index
        %get3A_194 = arith.index_cast %add3A_192 : i32 to index
        %get3A_195 = arith.constant 0 : index
        %get3A_196 = tpu.vector_load %arg6[%get3A_193, %get3A_194, %get3A_195] {strides = array<i32>} : memref<2x640x64xf32, #tpu.memory_space<vmem>>, vector<1x1x16xf32>,
        %get3A_197 = vector.shape_cast %get3A_196 : vector<1x1x16xf32> to vector<16xf32>
        %add3A_198 = arith.addf %get3A_190, %get3A_197 : vector<16xf32>
        %add3A_199 = arith.constant 2 : i32
        %add3A_200 = arith.addi %mul3A_186, %add3A_199 : i32
        %get3A_201 = arith.index_cast %rem3A_85 : i32 to index
        %get3A_202 = arith.index_cast %add3A_200 : i32 to index
        %get3A_203 = arith.constant 0 : index
        %get3A_204 = tpu.vector_load %arg6[%get3A_201, %get3A_202, %get3A_203] {strides = array<i32>} : memref<2x640x64xf32, #tpu.memory_space<vmem>>, vector<1x1x16xf32>,
        %get3A_205 = vector.shape_cast %get3A_204 : vector<1x1x16xf32> to vector<16xf32>
        %add3A_206 = arith.addf %add3A_198, %get3A_205 : vector<16xf32>
        %add3A_207 = arith.constant 3 : i32
        %add3A_208 = arith.addi %mul3A_186, %add3A_207 : i32
        %get3A_209 = arith.index_cast %rem3A_85 : i32 to index
        %get3A_210 = arith.index_cast %add3A_208 : i32 to index
        %get3A_211 = arith.constant 0 : index
        %get3A_212 = tpu.vector_load %arg6[%get3A_209, %get3A_210, %get3A_211] {strides = array<i32>} : memref<2x640x64xf32, #tpu.memory_space<vmem>>, vector<1x1x16xf32>,
        %get3A_213 = vector.shape_cast %get3A_212 : vector<1x1x16xf32> to vector<16xf32>
        %add3A_214 = arith.addf %add3A_206, %get3A_213 : vector<16xf32>
        %add3A_215 = arith.constant 4 : i32
        %add3A_216 = arith.addi %mul3A_186, %add3A_215 : i32
        %get3A_217 = arith.index_cast %rem3A_85 : i32 to index
        %get3A_218 = arith.index_cast %add3A_216 : i32 to index
        %get3A_219 = arith.constant 0 : index
        %get3A_220 = tpu.vector_load %arg6[%get3A_217, %get3A_218, %get3A_219] {strides = array<i32>} : memref<2x640x64xf32, #tpu.memory_space<vmem>>, vector<1x1x16xf32>,
        %get3A_221 = vector.shape_cast %get3A_220 : vector<1x1x16xf32> to vector<16xf32>
        %add3A_222 = arith.addf %add3A_214, %get3A_221 : vector<16xf32>
        %add3A_223 = arith.constant 5 : i32
        %add3A_224 = arith.addi %mul3A_186, %add3A_223 : i32
        %get3A_225 = arith.index_cast %rem3A_85 : i32 to index
        %get3A_226 = arith.index_cast %add3A_224 : i32 to index
        %get3A_227 = arith.constant 0 : index
        %get3A_228 = tpu.vector_load %arg6[%get3A_225, %get3A_226, %get3A_227] {strides = array<i32>} : memref<2x640x64xf32, #tpu.memory_space<vmem>>, vector<1x1x16xf32>,
        %get3A_229 = vector.shape_cast %get3A_228 : vector<1x1x16xf32> to vector<16xf32>
        %add3A_230 = arith.addf %add3A_222, %get3A_229 : vector<16xf32>
        %add3A_231 = arith.constant 6 : i32
        %add3A_232 = arith.addi %mul3A_186, %add3A_231 : i32
        %get3A_233 = arith.index_cast %rem3A_85 : i32 to index
        %get3A_234 = arith.index_cast %add3A_232 : i32 to index
        %get3A_235 = arith.constant 0 : index
        %get3A_236 = tpu.vector_load %arg6[%get3A_233, %get3A_234, %get3A_235] {strides = array<i32>} : memref<2x640x64xf32, #tpu.memory_space<vmem>>, vector<1x1x16xf32>,
        %get3A_237 = vector.shape_cast %get3A_236 : vector<1x1x16xf32> to vector<16xf32>
        %add3A_238 = arith.addf %add3A_230, %get3A_237 : vector<16xf32>
        %add3A_239 = arith.constant 7 : i32
        %add3A_240 = arith.addi %mul3A_186, %add3A_239 : i32
        %get3A_241 = arith.index_cast %rem3A_85 : i32 to index
        %get3A_242 = arith.index_cast %add3A_240 : i32 to index
        %get3A_243 = arith.constant 0 : index
        %get3A_244 = tpu.vector_load %arg6[%get3A_241, %get3A_242, %get3A_243] {strides = array<i32>} : memref<2x640x64xf32, #tpu.memory_space<vmem>>, vector<1x1x16xf32>,
        %get3A_245 = vector.shape_cast %get3A_244 : vector<1x1x16xf32> to vector<16xf32>
        %add3A_246 = arith.addf %add3A_238, %get3A_245 : vector<16xf32>
        %add3A_247 = arith.constant 8 : i32
        %add3A_248 = arith.addi %mul3A_186, %add3A_247 : i32
        %get3A_249 = arith.index_cast %rem3A_85 : i32 to index
        %get3A_250 = arith.index_cast %add3A_248 : i32 to index
        %get3A_251 = arith.constant 0 : index
        %get3A_252 = tpu.vector_load %arg6[%get3A_249, %get3A_250, %get3A_251] {strides = array<i32>} : memref<2x640x64xf32, #tpu.memory_space<vmem>>, vector<1x1x16xf32>,
        %get3A_253 = vector.shape_cast %get3A_252 : vector<1x1x16xf32> to vector<16xf32>
        %add3A_254 = arith.addf %add3A_246, %get3A_253 : vector<16xf32>
        %add3A_255 = arith.constant 9 : i32
        %add3A_256 = arith.addi %mul3A_186, %add3A_255 : i32
        %get3A_257 = arith.index_cast %rem3A_85 : i32 to index
        %get3A_258 = arith.index_cast %add3A_256 : i32 to index
        %get3A_259 = arith.constant 0 : index
        %get3A_260 = tpu.vector_load %arg6[%get3A_257, %get3A_258, %get3A_259] {strides = array<i32>} : memref<2x640x64xf32, #tpu.memory_space<vmem>>, vector<1x1x16xf32>,
        %get3A_261 = vector.shape_cast %get3A_260 : vector<1x1x16xf32> to vector<16xf32>
        %add3A_262 = arith.addf %add3A_254, %get3A_261 : vector<16xf32>
        %add3A_263 = arith.constant 10 : i32
        %add3A_264 = arith.addi %mul3A_186, %add3A_263 : i32
        %get3A_265 = arith.index_cast %rem3A_85 : i32 to index
        %get3A_266 = arith.index_cast %add3A_264 : i32 to index
        %get3A_267 = arith.constant 0 : index
        %get3A_268 = tpu.vector_load %arg6[%get3A_265, %get3A_266, %get3A_267] {strides = array<i32>} : memref<2x640x64xf32, #tpu.memory_space<vmem>>, vector<1x1x16xf32>,
        %get3A_269 = vector.shape_cast %get3A_268 : vector<1x1x16xf32> to vector<16xf32>
        %add3A_270 = arith.addf %add3A_262, %get3A_269 : vector<16xf32>
        %add3A_271 = arith.constant 11 : i32
        %add3A_272 = arith.addi %mul3A_186, %add3A_271 : i32
        %get3A_273 = arith.index_cast %rem3A_85 : i32 to index
        %get3A_274 = arith.index_cast %add3A_272 : i32 to index
        %get3A_275 = arith.constant 0 : index
        %get3A_276 = tpu.vector_load %arg6[%get3A_273, %get3A_274, %get3A_275] {strides = array<i32>} : memref<2x640x64xf32, #tpu.memory_space<vmem>>, vector<1x1x16xf32>,
        %get3A_277 = vector.shape_cast %get3A_276 : vector<1x1x16xf32> to vector<16xf32>
        %add3A_278 = arith.addf %add3A_270, %get3A_277 : vector<16xf32>
        %add3A_279 = arith.constant 12 : i32
        %add3A_280 = arith.addi %mul3A_186, %add3A_279 : i32
        %get3A_281 = arith.index_cast %rem3A_85 : i32 to index
        %get3A_282 = arith.index_cast %add3A_280 : i32 to index
        %get3A_283 = arith.constant 0 : index
        %get3A_284 = tpu.vector_load %arg6[%get3A_281, %get3A_282, %get3A_283] {strides = array<i32>} : memref<2x640x64xf32, #tpu.memory_space<vmem>>, vector<1x1x16xf32>,
        %get3A_285 = vector.shape_cast %get3A_284 : vector<1x1x16xf32> to vector<16xf32>
        %add3A_286 = arith.addf %add3A_278, %get3A_285 : vector<16xf32>
        %add3A_287 = arith.constant 13 : i32
        %add3A_288 = arith.addi %mul3A_186, %add3A_287 : i32
        %get3A_289 = arith.index_cast %rem3A_85 : i32 to index
        %get3A_290 = arith.index_cast %add3A_288 : i32 to index
        %get3A_291 = arith.constant 0 : index
        %get3A_292 = tpu.vector_load %arg6[%get3A_289, %get3A_290, %get3A_291] {strides = array<i32>} : memref<2x640x64xf32, #tpu.memory_space<vmem>>, vector<1x1x16xf32>,
        %get3A_293 = vector.shape_cast %get3A_292 : vector<1x1x16xf32> to vector<16xf32>
        %add3A_294 = arith.addf %add3A_286, %get3A_293 : vector<16xf32>
        %add3A_295 = arith.constant 14 : i32
        %add3A_296 = arith.addi %mul3A_186, %add3A_295 : i32
        %get3A_297 = arith.index_cast %rem3A_85 : i32 to index
        %get3A_298 = arith.index_cast %add3A_296 : i32 to index
        %get3A_299 = arith.constant 0 : index
        %get3A_300 = tpu.vector_load %arg6[%get3A_297, %get3A_298, %get3A_299] {strides = array<i32>} : memref<2x640x64xf32, #tpu.memory_space<vmem>>, vector<1x1x16xf32>,
        %get3A_301 = vector.shape_cast %get3A_300 : vector<1x1x16xf32> to vector<16xf32>
        %add3A_302 = arith.addf %add3A_294, %get3A_301 : vector<16xf32>
        %add3A_303 = arith.constant 15 : i32
        %add3A_304 = arith.addi %mul3A_186, %add3A_303 : i32
        %get3A_305 = arith.index_cast %rem3A_85 : i32 to index
        %get3A_306 = arith.index_cast %add3A_304 : i32 to index
        %get3A_307 = arith.constant 0 : index
        %get3A_308 = tpu.vector_load %arg6[%get3A_305, %get3A_306, %get3A_307] {strides = array<i32>} : memref<2x640x64xf32, #tpu.memory_space<vmem>>, vector<1x1x16xf32>,
        %get3A_309 = vector.shape_cast %get3A_308 : vector<1x1x16xf32> to vector<16xf32>
        %add3A_310 = arith.addf %add3A_302, %get3A_309 : vector<16xf32>
        %add3A_311 = arith.constant 16 : i32
        %add3A_312 = arith.addi %mul3A_186, %add3A_311 : i32
        %get3A_313 = arith.index_cast %rem3A_85 : i32 to index
        %get3A_314 = arith.index_cast %add3A_312 : i32 to index
        %get3A_315 = arith.constant 0 : index
        %get3A_316 = tpu.vector_load %arg6[%get3A_313, %get3A_314, %get3A_315] {strides = array<i32>} : memref<2x640x64xf32, #tpu.memory_space<vmem>>, vector<1x1x16xf32>,
        %get3A_317 = vector.shape_cast %get3A_316 : vector<1x1x16xf32> to vector<16xf32>
        %add3A_318 = arith.addf %add3A_310, %get3A_317 : vector<16xf32>
        %add3A_319 = arith.constant 17 : i32
        %add3A_320 = arith.addi %mul3A_186, %add3A_319 : i32
        %get3A_321 = arith.index_cast %rem3A_85 : i32 to index
        %get3A_322 = arith.index_cast %add3A_320 : i32 to index
        %get3A_323 = arith.constant 0 : index
        %get3A_324 = tpu.vector_load %arg6[%get3A_321, %get3A_322, %get3A_323] {strides = array<i32>} : memref<2x640x64xf32, #tpu.memory_space<vmem>>, vector<1x1x16xf32>,
        %get3A_325 = vector.shape_cast %get3A_324 : vector<1x1x16xf32> to vector<16xf32>
        %add3A_326 = arith.addf %add3A_318, %get3A_325 : vector<16xf32>
        %add3A_327 = arith.constant 18 : i32
        %add3A_328 = arith.addi %mul3A_186, %add3A_327 : i32
        %get3A_329 = arith.index_cast %rem3A_85 : i32 to index
        %get3A_330 = arith.index_cast %add3A_328 : i32 to index
        %get3A_331 = arith.constant 0 : index
        %get3A_332 = tpu.vector_load %arg6[%get3A_329, %get3A_330, %get3A_331] {strides = array<i32>} : memref<2x640x64xf32, #tpu.memory_space<vmem>>, vector<1x1x16xf32>,
        %get3A_333 = vector.shape_cast %get3A_332 : vector<1x1x16xf32> to vector<16xf32>
        %add3A_334 = arith.addf %add3A_326, %get3A_333 : vector<16xf32>
        %add3A_335 = arith.constant 19 : i32
        %add3A_336 = arith.addi %mul3A_186, %add3A_335 : i32
        %get3A_337 = arith.index_cast %rem3A_85 : i32 to index
        %get3A_338 = arith.index_cast %add3A_336 : i32 to index
        %get3A_339 = arith.constant 0 : index
        %get3A_340 = tpu.vector_load %arg6[%get3A_337, %get3A_338, %get3A_339] {strides = array<i32>} : memref<2x640x64xf32, #tpu.memory_space<vmem>>, vector<1x1x16xf32>,
        %get3A_341 = vector.shape_cast %get3A_340 : vector<1x1x16xf32> to vector<16xf32>
        %add3A_342 = arith.addf %add3A_334, %get3A_341 : vector<16xf32>
        %swap3A = arith.index_cast %scan3A_183 : i32 to index
        %swap3A_343 = arith.constant 0 : index
        %swap3A_344 = tpu.vector_load %arg7[%swap3A, %swap3A_343] {strides = array<i32>} : memref<32x64xf32, #tpu.memory_space<vmem>>, vector<1x16xf32>,
        %swap3A_345 = vector.shape_cast %swap3A_344 : vector<1x16xf32> to vector<16xf32>
        %swap3A_346 = vector.shape_cast %add3A_342 : vector<16xf32> to vector<1x16xf32>
        tpu.vector_store %arg7[%swap3A, %swap3A_343], %swap3A_346 {strides = array<i32>} : memref<32x64xf32, #tpu.memory_space<vmem>>, vector<1x16xf32>,
        %get3A_347 = arith.index_cast %rem3A_85 : i32 to index
        %get3A_348 = arith.index_cast %mul3A_186 : i32 to index
        %get3A_349 = arith.constant 16 : index
        %get3A_350 = tpu.vector_load %arg6[%get3A_347, %get3A_348, %get3A_349] {strides = array<i32>} : memref<2x640x64xf32, #tpu.memory_space<vmem>>, vector<1x1x16xf32>,
        %get3A_351 = vector.shape_cast %get3A_350 : vector<1x1x16xf32> to vector<16xf32>
        %add3A_352 = arith.constant 1 : i32
        %add3A_353 = arith.addi %mul3A_186, %add3A_352 : i32
        %get3A_354 = arith.index_cast %rem3A_85 : i32 to index
        %get3A_355 = arith.index_cast %add3A_353 : i32 to index
        %get3A_356 = arith.constant 16 : index
        %get3A_357 = tpu.vector_load %arg6[%get3A_354, %get3A_355, %get3A_356] {strides = array<i32>} : memref<2x640x64xf32, #tpu.memory_space<vmem>>, vector<1x1x16xf32>,
        %get3A_358 = vector.shape_cast %get3A_357 : vector<1x1x16xf32> to vector<16xf32>
        %add3A_359 = arith.addf %get3A_351, %get3A_358 : vector<16xf32>
        %add3A_360 = arith.constant 2 : i32
        %add3A_361 = arith.addi %mul3A_186, %add3A_360 : i32
        %get3A_362 = arith.index_cast %rem3A_85 : i32 to index
        %get3A_363 = arith.index_cast %add3A_361 : i32 to index
        %get3A_364 = arith.constant 16 : index
        %get3A_365 = tpu.vector_load %arg6[%get3A_362, %get3A_363, %get3A_364] {strides = array<i32>} : memref<2x640x64xf32, #tpu.memory_space<vmem>>, vector<1x1x16xf32>,
        %get3A_366 = vector.shape_cast %get3A_365 : vector<1x1x16xf32> to vector<16xf32>
        %add3A_367 = arith.addf %add3A_359, %get3A_366 : vector<16xf32>
        %add3A_368 = arith.constant 3 : i32
        %add3A_369 = arith.addi %mul3A_186, %add3A_368 : i32
        %get3A_370 = arith.index_cast %rem3A_85 : i32 to index
        %get3A_371 = arith.index_cast %add3A_369 : i32 to index
        %get3A_372 = arith.constant 16 : index
        %get3A_373 = tpu.vector_load %arg6[%get3A_370, %get3A_371, %get3A_372] {strides = array<i32>} : memref<2x640x64xf32, #tpu.memory_space<vmem>>, vector<1x1x16xf32>,
        %get3A_374 = vector.shape_cast %get3A_373 : vector<1x1x16xf32> to vector<16xf32>
        %add3A_375 = arith.addf %add3A_367, %get3A_374 : vector<16xf32>
        %add3A_376 = arith.constant 4 : i32
        %add3A_377 = arith.addi %mul3A_186, %add3A_376 : i32
        %get3A_378 = arith.index_cast %rem3A_85 : i32 to index
        %get3A_379 = arith.index_cast %add3A_377 : i32 to index
        %get3A_380 = arith.constant 16 : index
        %get3A_381 = tpu.vector_load %arg6[%get3A_378, %get3A_379, %get3A_380] {strides = array<i32>} : memref<2x640x64xf32, #tpu.memory_space<vmem>>, vector<1x1x16xf32>,
        %get3A_382 = vector.shape_cast %get3A_381 : vector<1x1x16xf32> to vector<16xf32>
        %add3A_383 = arith.addf %add3A_375, %get3A_382 : vector<16xf32>
        %add3A_384 = arith.constant 5 : i32
        %add3A_385 = arith.addi %mul3A_186, %add3A_384 : i32
        %get3A_386 = arith.index_cast %rem3A_85 : i32 to index
        %get3A_387 = arith.index_cast %add3A_385 : i32 to index
        %get3A_388 = arith.constant 16 : index
        %get3A_389 = tpu.vector_load %arg6[%get3A_386, %get3A_387, %get3A_388] {strides = array<i32>} : memref<2x640x64xf32, #tpu.memory_space<vmem>>, vector<1x1x16xf32>,
        %get3A_390 = vector.shape_cast %get3A_389 : vector<1x1x16xf32> to vector<16xf32>
        %add3A_391 = arith.addf %add3A_383, %get3A_390 : vector<16xf32>
        %add3A_392 = arith.constant 6 : i32
        %add3A_393 = arith.addi %mul3A_186, %add3A_392 : i32
        %get3A_394 = arith.index_cast %rem3A_85 : i32 to index
        %get3A_395 = arith.index_cast %add3A_393 : i32 to index
        %get3A_396 = arith.constant 16 : index
        %get3A_397 = tpu.vector_load %arg6[%get3A_394, %get3A_395, %get3A_396] {strides = array<i32>} : memref<2x640x64xf32, #tpu.memory_space<vmem>>, vector<1x1x16xf32>,
        %get3A_398 = vector.shape_cast %get3A_397 : vector<1x1x16xf32> to vector<16xf32>
        %add3A_399 = arith.addf %add3A_391, %get3A_398 : vector<16xf32>
        %add3A_400 = arith.constant 7 : i32
        %add3A_401 = arith.addi %mul3A_186, %add3A_400 : i32
        %get3A_402 = arith.index_cast %rem3A_85 : i32 to index
        %get3A_403 = arith.index_cast %add3A_401 : i32 to index
        %get3A_404 = arith.constant 16 : index
        %get3A_405 = tpu.vector_load %arg6[%get3A_402, %get3A_403, %get3A_404] {strides = array<i32>} : memref<2x640x64xf32, #tpu.memory_space<vmem>>, vector<1x1x16xf32>,
        %get3A_406 = vector.shape_cast %get3A_405 : vector<1x1x16xf32> to vector<16xf32>
        %add3A_407 = arith.addf %add3A_399, %get3A_406 : vector<16xf32>
        %add3A_408 = arith.constant 8 : i32
        %add3A_409 = arith.addi %mul3A_186, %add3A_408 : i32
        %get3A_410 = arith.index_cast %rem3A_85 : i32 to index
        %get3A_411 = arith.index_cast %add3A_409 : i32 to index
        %get3A_412 = arith.constant 16 : index
        %get3A_413 = tpu.vector_load %arg6[%get3A_410, %get3A_411, %get3A_412] {strides = array<i32>} : memref<2x640x64xf32, #tpu.memory_space<vmem>>, vector<1x1x16xf32>,
        %get3A_414 = vector.shape_cast %get3A_413 : vector<1x1x16xf32> to vector<16xf32>
        %add3A_415 = arith.addf %add3A_407, %get3A_414 : vector<16xf32>
        %add3A_416 = arith.constant 9 : i32
        %add3A_417 = arith.addi %mul3A_186, %add3A_416 : i32
        %get3A_418 = arith.index_cast %rem3A_85 : i32 to index
        %get3A_419 = arith.index_cast %add3A_417 : i32 to index
        %get3A_420 = arith.constant 16 : index
        %get3A_421 = tpu.vector_load %arg6[%get3A_418, %get3A_419, %get3A_420] {strides = array<i32>} : memref<2x640x64xf32, #tpu.memory_space<vmem>>, vector<1x1x16xf32>,
        %get3A_422 = vector.shape_cast %get3A_421 : vector<1x1x16xf32> to vector<16xf32>
        %add3A_423 = arith.addf %add3A_415, %get3A_422 : vector<16xf32>
        %add3A_424 = arith.constant 10 : i32
        %add3A_425 = arith.addi %mul3A_186, %add3A_424 : i32
        %get3A_426 = arith.index_cast %rem3A_85 : i32 to index
        %get3A_427 = arith.index_cast %add3A_425 : i32 to index
        %get3A_428 = arith.constant 16 : index
        %get3A_429 = tpu.vector_load %arg6[%get3A_426, %get3A_427, %get3A_428] {strides = array<i32>} : memref<2x640x64xf32, #tpu.memory_space<vmem>>, vector<1x1x16xf32>,
        %get3A_430 = vector.shape_cast %get3A_429 : vector<1x1x16xf32> to vector<16xf32>
        %add3A_431 = arith.addf %add3A_423, %get3A_430 : vector<16xf32>
        %add3A_432 = arith.constant 11 : i32
        %add3A_433 = arith.addi %mul3A_186, %add3A_432 : i32
        %get3A_434 = arith.index_cast %rem3A_85 : i32 to index
        %get3A_435 = arith.index_cast %add3A_433 : i32 to index
        %get3A_436 = arith.constant 16 : index
        %get3A_437 = tpu.vector_load %arg6[%get3A_434, %get3A_435, %get3A_436] {strides = array<i32>} : memref<2x640x64xf32, #tpu.memory_space<vmem>>, vector<1x1x16xf32>,
        %get3A_438 = vector.shape_cast %get3A_437 : vector<1x1x16xf32> to vector<16xf32>
        %add3A_439 = arith.addf %add3A_431, %get3A_438 : vector<16xf32>
        %add3A_440 = arith.constant 12 : i32
        %add3A_441 = arith.addi %mul3A_186, %add3A_440 : i32
        %get3A_442 = arith.index_cast %rem3A_85 : i32 to index
        %get3A_443 = arith.index_cast %add3A_441 : i32 to index
        %get3A_444 = arith.constant 16 : index
        %get3A_445 = tpu.vector_load %arg6[%get3A_442, %get3A_443, %get3A_444] {strides = array<i32>} : memref<2x640x64xf32, #tpu.memory_space<vmem>>, vector<1x1x16xf32>,
        %get3A_446 = vector.shape_cast %get3A_445 : vector<1x1x16xf32> to vector<16xf32>
        %add3A_447 = arith.addf %add3A_439, %get3A_446 : vector<16xf32>
        %add3A_448 = arith.constant 13 : i32
        %add3A_449 = arith.addi %mul3A_186, %add3A_448 : i32
        %get3A_450 = arith.index_cast %rem3A_85 : i32 to index
        %get3A_451 = arith.index_cast %add3A_449 : i32 to index
        %get3A_452 = arith.constant 16 : index
        %get3A_453 = tpu.vector_load %arg6[%get3A_450, %get3A_451, %get3A_452] {strides = array<i32>} : memref<2x640x64xf32, #tpu.memory_space<vmem>>, vector<1x1x16xf32>,
        %get3A_454 = vector.shape_cast %get3A_453 : vector<1x1x16xf32> to vector<16xf32>
        %add3A_455 = arith.addf %add3A_447, %get3A_454 : vector<16xf32>
        %add3A_456 = arith.constant 14 : i32
        %add3A_457 = arith.addi %mul3A_186, %add3A_456 : i32
        %get3A_458 = arith.index_cast %rem3A_85 : i32 to index
        %get3A_459 = arith.index_cast %add3A_457 : i32 to index
        %get3A_460 = arith.constant 16 : index
        %get3A_461 = tpu.vector_load %arg6[%get3A_458, %get3A_459, %get3A_460] {strides = array<i32>} : memref<2x640x64xf32, #tpu.memory_space<vmem>>, vector<1x1x16xf32>,
        %get3A_462 = vector.shape_cast %get3A_461 : vector<1x1x16xf32> to vector<16xf32>
        %add3A_463 = arith.addf %add3A_455, %get3A_462 : vector<16xf32>
        %add3A_464 = arith.constant 15 : i32
        %add3A_465 = arith.addi %mul3A_186, %add3A_464 : i32
        %get3A_466 = arith.index_cast %rem3A_85 : i32 to index
        %get3A_467 = arith.index_cast %add3A_465 : i32 to index
        %get3A_468 = arith.constant 16 : index
        %get3A_469 = tpu.vector_load %arg6[%get3A_466, %get3A_467, %get3A_468] {strides = array<i32>} : memref<2x640x64xf32, #tpu.memory_space<vmem>>, vector<1x1x16xf32>,
        %get3A_470 = vector.shape_cast %get3A_469 : vector<1x1x16xf32> to vector<16xf32>
        %add3A_471 = arith.addf %add3A_463, %get3A_470 : vector<16xf32>
        %add3A_472 = arith.constant 16 : i32
        %add3A_473 = arith.addi %mul3A_186, %add3A_472 : i32
        %get3A_474 = arith.index_cast %rem3A_85 : i32 to index
        %get3A_475 = arith.index_cast %add3A_473 : i32 to index
        %get3A_476 = arith.constant 16 : index
        %get3A_477 = tpu.vector_load %arg6[%get3A_474, %get3A_475, %get3A_476] {strides = array<i32>} : memref<2x640x64xf32, #tpu.memory_space<vmem>>, vector<1x1x16xf32>,
        %get3A_478 = vector.shape_cast %get3A_477 : vector<1x1x16xf32> to vector<16xf32>
        %add3A_479 = arith.addf %add3A_471, %get3A_478 : vector<16xf32>
        %add3A_480 = arith.constant 17 : i32
        %add3A_481 = arith.addi %mul3A_186, %add3A_480 : i32
        %get3A_482 = arith.index_cast %rem3A_85 : i32 to index
        %get3A_483 = arith.index_cast %add3A_481 : i32 to index
        %get3A_484 = arith.constant 16 : index
        %get3A_485 = tpu.vector_load %arg6[%get3A_482, %get3A_483, %get3A_484] {strides = array<i32>} : memref<2x640x64xf32, #tpu.memory_space<vmem>>, vector<1x1x16xf32>,
        %get3A_486 = vector.shape_cast %get3A_485 : vector<1x1x16xf32> to vector<16xf32>
        %add3A_487 = arith.addf %add3A_479, %get3A_486 : vector<16xf32>
        %add3A_488 = arith.constant 18 : i32
        %add3A_489 = arith.addi %mul3A_186, %add3A_488 : i32
        %get3A_490 = arith.index_cast %rem3A_85 : i32 to index
        %get3A_491 = arith.index_cast %add3A_489 : i32 to index
        %get3A_492 = arith.constant 16 : index
        %get3A_493 = tpu.vector_load %arg6[%get3A_490, %get3A_491, %get3A_492] {strides = array<i32>} : memref<2x640x64xf32, #tpu.memory_space<vmem>>, vector<1x1x16xf32>,
        %get3A_494 = vector.shape_cast %get3A_493 : vector<1x1x16xf32> to vector<16xf32>
        %add3A_495 = arith.addf %add3A_487, %get3A_494 : vector<16xf32>
        %add3A_496 = arith.constant 19 : i32
        %add3A_497 = arith.addi %mul3A_186, %add3A_496 : i32
        %get3A_498 = arith.index_cast %rem3A_85 : i32 to index
        %get3A_499 = arith.index_cast %add3A_497 : i32 to index
        %get3A_500 = arith.constant 16 : index
        %get3A_501 = tpu.vector_load %arg6[%get3A_498, %get3A_499, %get3A_500] {strides = array<i32>} : memref<2x640x64xf32, #tpu.memory_space<vmem>>, vector<1x1x16xf32>,
        %get3A_502 = vector.shape_cast %get3A_501 : vector<1x1x16xf32> to vector<16xf32>
        %add3A_503 = arith.addf %add3A_495, %get3A_502 : vector<16xf32>
        %swap3A_504 = arith.index_cast %scan3A_183 : i32 to index
        %swap3A_505 = arith.constant 16 : index
        %swap3A_506 = tpu.vector_load %arg7[%swap3A_504, %swap3A_505] {strides = array<i32>} : memref<32x64xf32, #tpu.memory_space<vmem>>, vector<1x16xf32>,
        %swap3A_507 = vector.shape_cast %swap3A_506 : vector<1x16xf32> to vector<16xf32>
        %swap3A_508 = vector.shape_cast %add3A_503 : vector<16xf32> to vector<1x16xf32>
        tpu.vector_store %arg7[%swap3A_504, %swap3A_505], %swap3A_508 {strides = array<i32>} : memref<32x64xf32, #tpu.memory_space<vmem>>, vector<1x16xf32>,
        %get3A_509 = arith.index_cast %rem3A_85 : i32 to index
        %get3A_510 = arith.index_cast %mul3A_186 : i32 to index
        %get3A_511 = arith.constant 32 : index
        %get3A_512 = tpu.vector_load %arg6[%get3A_509, %get3A_510, %get3A_511] {strides = array<i32>} : memref<2x640x64xf32, #tpu.memory_space<vmem>>, vector<1x1x16xf32>,
        %get3A_513 = vector.shape_cast %get3A_512 : vector<1x1x16xf32> to vector<16xf32>
        %add3A_514 = arith.constant 1 : i32
        %add3A_515 = arith.addi %mul3A_186, %add3A_514 : i32
        %get3A_516 = arith.index_cast %rem3A_85 : i32 to index
        %get3A_517 = arith.index_cast %add3A_515 : i32 to index
        %get3A_518 = arith.constant 32 : index
        %get3A_519 = tpu.vector_load %arg6[%get3A_516, %get3A_517, %get3A_518] {strides = array<i32>} : memref<2x640x64xf32, #tpu.memory_space<vmem>>, vector<1x1x16xf32>,
        %get3A_520 = vector.shape_cast %get3A_519 : vector<1x1x16xf32> to vector<16xf32>
        %add3A_521 = arith.addf %get3A_513, %get3A_520 : vector<16xf32>
        %add3A_522 = arith.constant 2 : i32
        %add3A_523 = arith.addi %mul3A_186, %add3A_522 : i32
        %get3A_524 = arith.index_cast %rem3A_85 : i32 to index
        %get3A_525 = arith.index_cast %add3A_523 : i32 to index
        %get3A_526 = arith.constant 32 : index
        %get3A_527 = tpu.vector_load %arg6[%get3A_524, %get3A_525, %get3A_526] {strides = array<i32>} : memref<2x640x64xf32, #tpu.memory_space<vmem>>, vector<1x1x16xf32>,
        %get3A_528 = vector.shape_cast %get3A_527 : vector<1x1x16xf32> to vector<16xf32>
        %add3A_529 = arith.addf %add3A_521, %get3A_528 : vector<16xf32>
        %add3A_530 = arith.constant 3 : i32
        %add3A_531 = arith.addi %mul3A_186, %add3A_530 : i32
        %get3A_532 = arith.index_cast %rem3A_85 : i32 to index
        %get3A_533 = arith.index_cast %add3A_531 : i32 to index
        %get3A_534 = arith.constant 32 : index
        %get3A_535 = tpu.vector_load %arg6[%get3A_532, %get3A_533, %get3A_534] {strides = array<i32>} : memref<2x640x64xf32, #tpu.memory_space<vmem>>, vector<1x1x16xf32>,
        %get3A_536 = vector.shape_cast %get3A_535 : vector<1x1x16xf32> to vector<16xf32>
        %add3A_537 = arith.addf %add3A_529, %get3A_536 : vector<16xf32>
        %add3A_538 = arith.constant 4 : i32
        %add3A_539 = arith.addi %mul3A_186, %add3A_538 : i32
        %get3A_540 = arith.index_cast %rem3A_85 : i32 to index
        %get3A_541 = arith.index_cast %add3A_539 : i32 to index
        %get3A_542 = arith.constant 32 : index
        %get3A_543 = tpu.vector_load %arg6[%get3A_540, %get3A_541, %get3A_542] {strides = array<i32>} : memref<2x640x64xf32, #tpu.memory_space<vmem>>, vector<1x1x16xf32>,
        %get3A_544 = vector.shape_cast %get3A_543 : vector<1x1x16xf32> to vector<16xf32>
        %add3A_545 = arith.addf %add3A_537, %get3A_544 : vector<16xf32>
        %add3A_546 = arith.constant 5 : i32
        %add3A_547 = arith.addi %mul3A_186, %add3A_546 : i32
        %get3A_548 = arith.index_cast %rem3A_85 : i32 to index
        %get3A_549 = arith.index_cast %add3A_547 : i32 to index
        %get3A_550 = arith.constant 32 : index
        %get3A_551 = tpu.vector_load %arg6[%get3A_548, %get3A_549, %get3A_550] {strides = array<i32>} : memref<2x640x64xf32, #tpu.memory_space<vmem>>, vector<1x1x16xf32>,
        %get3A_552 = vector.shape_cast %get3A_551 : vector<1x1x16xf32> to vector<16xf32>
        %add3A_553 = arith.addf %add3A_545, %get3A_552 : vector<16xf32>
        %add3A_554 = arith.constant 6 : i32
        %add3A_555 = arith.addi %mul3A_186, %add3A_554 : i32
        %get3A_556 = arith.index_cast %rem3A_85 : i32 to index
        %get3A_557 = arith.index_cast %add3A_555 : i32 to index
        %get3A_558 = arith.constant 32 : index
        %get3A_559 = tpu.vector_load %arg6[%get3A_556, %get3A_557, %get3A_558] {strides = array<i32>} : memref<2x640x64xf32, #tpu.memory_space<vmem>>, vector<1x1x16xf32>,
        %get3A_560 = vector.shape_cast %get3A_559 : vector<1x1x16xf32> to vector<16xf32>
        %add3A_561 = arith.addf %add3A_553, %get3A_560 : vector<16xf32>
        %add3A_562 = arith.constant 7 : i32
        %add3A_563 = arith.addi %mul3A_186, %add3A_562 : i32
        %get3A_564 = arith.index_cast %rem3A_85 : i32 to index
        %get3A_565 = arith.index_cast %add3A_563 : i32 to index
        %get3A_566 = arith.constant 32 : index
        %get3A_567 = tpu.vector_load %arg6[%get3A_564, %get3A_565, %get3A_566] {strides = array<i32>} : memref<2x640x64xf32, #tpu.memory_space<vmem>>, vector<1x1x16xf32>,
        %get3A_568 = vector.shape_cast %get3A_567 : vector<1x1x16xf32> to vector<16xf32>
        %add3A_569 = arith.addf %add3A_561, %get3A_568 : vector<16xf32>
        %add3A_570 = arith.constant 8 : i32
        %add3A_571 = arith.addi %mul3A_186, %add3A_570 : i32
        %get3A_572 = arith.index_cast %rem3A_85 : i32 to index
        %get3A_573 = arith.index_cast %add3A_571 : i32 to index
        %get3A_574 = arith.constant 32 : index
        %get3A_575 = tpu.vector_load %arg6[%get3A_572, %get3A_573, %get3A_574] {strides = array<i32>} : memref<2x640x64xf32, #tpu.memory_space<vmem>>, vector<1x1x16xf32>,
        %get3A_576 = vector.shape_cast %get3A_575 : vector<1x1x16xf32> to vector<16xf32>
        %add3A_577 = arith.addf %add3A_569, %get3A_576 : vector<16xf32>
        %add3A_578 = arith.constant 9 : i32
        %add3A_579 = arith.addi %mul3A_186, %add3A_578 : i32
        %get3A_580 = arith.index_cast %rem3A_85 : i32 to index
        %get3A_581 = arith.index_cast %add3A_579 : i32 to index
        %get3A_582 = arith.constant 32 : index
        %get3A_583 = tpu.vector_load %arg6[%get3A_580, %get3A_581, %get3A_582] {strides = array<i32>} : memref<2x640x64xf32, #tpu.memory_space<vmem>>, vector<1x1x16xf32>,
        %get3A_584 = vector.shape_cast %get3A_583 : vector<1x1x16xf32> to vector<16xf32>
        %add3A_585 = arith.addf %add3A_577, %get3A_584 : vector<16xf32>
        %add3A_586 = arith.constant 10 : i32
        %add3A_587 = arith.addi %mul3A_186, %add3A_586 : i32
        %get3A_588 = arith.index_cast %rem3A_85 : i32 to index
        %get3A_589 = arith.index_cast %add3A_587 : i32 to index
        %get3A_590 = arith.constant 32 : index
        %get3A_591 = tpu.vector_load %arg6[%get3A_588, %get3A_589, %get3A_590] {strides = array<i32>} : memref<2x640x64xf32, #tpu.memory_space<vmem>>, vector<1x1x16xf32>,
        %get3A_592 = vector.shape_cast %get3A_591 : vector<1x1x16xf32> to vector<16xf32>
        %add3A_593 = arith.addf %add3A_585, %get3A_592 : vector<16xf32>
        %add3A_594 = arith.constant 11 : i32
        %add3A_595 = arith.addi %mul3A_186, %add3A_594 : i32
        %get3A_596 = arith.index_cast %rem3A_85 : i32 to index
        %get3A_597 = arith.index_cast %add3A_595 : i32 to index
        %get3A_598 = arith.constant 32 : index
        %get3A_599 = tpu.vector_load %arg6[%get3A_596, %get3A_597, %get3A_598] {strides = array<i32>} : memref<2x640x64xf32, #tpu.memory_space<vmem>>, vector<1x1x16xf32>,
        %get3A_600 = vector.shape_cast %get3A_599 : vector<1x1x16xf32> to vector<16xf32>
        %add3A_601 = arith.addf %add3A_593, %get3A_600 : vector<16xf32>
        %add3A_602 = arith.constant 12 : i32
        %add3A_603 = arith.addi %mul3A_186, %add3A_602 : i32
        %get3A_604 = arith.index_cast %rem3A_85 : i32 to index
        %get3A_605 = arith.index_cast %add3A_603 : i32 to index
        %get3A_606 = arith.constant 32 : index
        %get3A_607 = tpu.vector_load %arg6[%get3A_604, %get3A_605, %get3A_606] {strides = array<i32>} : memref<2x640x64xf32, #tpu.memory_space<vmem>>, vector<1x1x16xf32>,
        %get3A_608 = vector.shape_cast %get3A_607 : vector<1x1x16xf32> to vector<16xf32>
        %add3A_609 = arith.addf %add3A_601, %get3A_608 : vector<16xf32>
        %add3A_610 = arith.constant 13 : i32
        %add3A_611 = arith.addi %mul3A_186, %add3A_610 : i32
        %get3A_612 = arith.index_cast %rem3A_85 : i32 to index
        %get3A_613 = arith.index_cast %add3A_611 : i32 to index
        %get3A_614 = arith.constant 32 : index
        %get3A_615 = tpu.vector_load %arg6[%get3A_612, %get3A_613, %get3A_614] {strides = array<i32>} : memref<2x640x64xf32, #tpu.memory_space<vmem>>, vector<1x1x16xf32>,
        %get3A_616 = vector.shape_cast %get3A_615 : vector<1x1x16xf32> to vector<16xf32>
        %add3A_617 = arith.addf %add3A_609, %get3A_616 : vector<16xf32>
        %add3A_618 = arith.constant 14 : i32
        %add3A_619 = arith.addi %mul3A_186, %add3A_618 : i32
        %get3A_620 = arith.index_cast %rem3A_85 : i32 to index
        %get3A_621 = arith.index_cast %add3A_619 : i32 to index
        %get3A_622 = arith.constant 32 : index
        %get3A_623 = tpu.vector_load %arg6[%get3A_620, %get3A_621, %get3A_622] {strides = array<i32>} : memref<2x640x64xf32, #tpu.memory_space<vmem>>, vector<1x1x16xf32>,
        %get3A_624 = vector.shape_cast %get3A_623 : vector<1x1x16xf32> to vector<16xf32>
        %add3A_625 = arith.addf %add3A_617, %get3A_624 : vector<16xf32>
        %add3A_626 = arith.constant 15 : i32
        %add3A_627 = arith.addi %mul3A_186, %add3A_626 : i32
        %get3A_628 = arith.index_cast %rem3A_85 : i32 to index
        %get3A_629 = arith.index_cast %add3A_627 : i32 to index
        %get3A_630 = arith.constant 32 : index
        %get3A_631 = tpu.vector_load %arg6[%get3A_628, %get3A_629, %get3A_630] {strides = array<i32>} : memref<2x640x64xf32, #tpu.memory_space<vmem>>, vector<1x1x16xf32>,
        %get3A_632 = vector.shape_cast %get3A_631 : vector<1x1x16xf32> to vector<16xf32>
        %add3A_633 = arith.addf %add3A_625, %get3A_632 : vector<16xf32>
        %add3A_634 = arith.constant 16 : i32
        %add3A_635 = arith.addi %mul3A_186, %add3A_634 : i32
        %get3A_636 = arith.index_cast %rem3A_85 : i32 to index
        %get3A_637 = arith.index_cast %add3A_635 : i32 to index
        %get3A_638 = arith.constant 32 : index
        %get3A_639 = tpu.vector_load %arg6[%get3A_636, %get3A_637, %get3A_638] {strides = array<i32>} : memref<2x640x64xf32, #tpu.memory_space<vmem>>, vector<1x1x16xf32>,
        %get3A_640 = vector.shape_cast %get3A_639 : vector<1x1x16xf32> to vector<16xf32>
        %add3A_641 = arith.addf %add3A_633, %get3A_640 : vector<16xf32>
        %add3A_642 = arith.constant 17 : i32
        %add3A_643 = arith.addi %mul3A_186, %add3A_642 : i32
        %get3A_644 = arith.index_cast %rem3A_85 : i32 to index
        %get3A_645 = arith.index_cast %add3A_643 : i32 to index
        %get3A_646 = arith.constant 32 : index
        %get3A_647 = tpu.vector_load %arg6[%get3A_644, %get3A_645, %get3A_646] {strides = array<i32>} : memref<2x640x64xf32, #tpu.memory_space<vmem>>, vector<1x1x16xf32>,
        %get3A_648 = vector.shape_cast %get3A_647 : vector<1x1x16xf32> to vector<16xf32>
        %add3A_649 = arith.addf %add3A_641, %get3A_648 : vector<16xf32>
        %add3A_650 = arith.constant 18 : i32
        %add3A_651 = arith.addi %mul3A_186, %add3A_650 : i32
        %get3A_652 = arith.index_cast %rem3A_85 : i32 to index
        %get3A_653 = arith.index_cast %add3A_651 : i32 to index
        %get3A_654 = arith.constant 32 : index
        %get3A_655 = tpu.vector_load %arg6[%get3A_652, %get3A_653, %get3A_654] {strides = array<i32>} : memref<2x640x64xf32, #tpu.memory_space<vmem>>, vector<1x1x16xf32>,
        %get3A_656 = vector.shape_cast %get3A_655 : vector<1x1x16xf32> to vector<16xf32>
        %add3A_657 = arith.addf %add3A_649, %get3A_656 : vector<16xf32>
        %add3A_658 = arith.constant 19 : i32
        %add3A_659 = arith.addi %mul3A_186, %add3A_658 : i32
        %get3A_660 = arith.index_cast %rem3A_85 : i32 to index
        %get3A_661 = arith.index_cast %add3A_659 : i32 to index
        %get3A_662 = arith.constant 32 : index
        %get3A_663 = tpu.vector_load %arg6[%get3A_660, %get3A_661, %get3A_662] {strides = array<i32>} : memref<2x640x64xf32, #tpu.memory_space<vmem>>, vector<1x1x16xf32>,
        %get3A_664 = vector.shape_cast %get3A_663 : vector<1x1x16xf32> to vector<16xf32>
        %add3A_665 = arith.addf %add3A_657, %get3A_664 : vector<16xf32>
        %swap3A_666 = arith.index_cast %scan3A_183 : i32 to index
        %swap3A_667 = arith.constant 32 : index
        %swap3A_668 = tpu.vector_load %arg7[%swap3A_666, %swap3A_667] {strides = array<i32>} : memref<32x64xf32, #tpu.memory_space<vmem>>, vector<1x16xf32>,
        %swap3A_669 = vector.shape_cast %swap3A_668 : vector<1x16xf32> to vector<16xf32>
        %swap3A_670 = vector.shape_cast %add3A_665 : vector<16xf32> to vector<1x16xf32>
        tpu.vector_store %arg7[%swap3A_666, %swap3A_667], %swap3A_670 {strides = array<i32>} : memref<32x64xf32, #tpu.memory_space<vmem>>, vector<1x16xf32>,
        %get3A_671 = arith.index_cast %rem3A_85 : i32 to index
        %get3A_672 = arith.index_cast %mul3A_186 : i32 to index
        %get3A_673 = arith.constant 48 : index
        %get3A_674 = tpu.vector_load %arg6[%get3A_671, %get3A_672, %get3A_673] {strides = array<i32>} : memref<2x640x64xf32, #tpu.memory_space<vmem>>, vector<1x1x16xf32>,
        %get3A_675 = vector.shape_cast %get3A_674 : vector<1x1x16xf32> to vector<16xf32>
        %add3A_676 = arith.constant 1 : i32
        %add3A_677 = arith.addi %mul3A_186, %add3A_676 : i32
        %get3A_678 = arith.index_cast %rem3A_85 : i32 to index
        %get3A_679 = arith.index_cast %add3A_677 : i32 to index
        %get3A_680 = arith.constant 48 : index
        %get3A_681 = tpu.vector_load %arg6[%get3A_678, %get3A_679, %get3A_680] {strides = array<i32>} : memref<2x640x64xf32, #tpu.memory_space<vmem>>, vector<1x1x16xf32>,
        %get3A_682 = vector.shape_cast %get3A_681 : vector<1x1x16xf32> to vector<16xf32>
        %add3A_683 = arith.addf %get3A_675, %get3A_682 : vector<16xf32>
        %add3A_684 = arith.constant 2 : i32
        %add3A_685 = arith.addi %mul3A_186, %add3A_684 : i32
        %get3A_686 = arith.index_cast %rem3A_85 : i32 to index
        %get3A_687 = arith.index_cast %add3A_685 : i32 to index
        %get3A_688 = arith.constant 48 : index
        %get3A_689 = tpu.vector_load %arg6[%get3A_686, %get3A_687, %get3A_688] {strides = array<i32>} : memref<2x640x64xf32, #tpu.memory_space<vmem>>, vector<1x1x16xf32>,
        %get3A_690 = vector.shape_cast %get3A_689 : vector<1x1x16xf32> to vector<16xf32>
        %add3A_691 = arith.addf %add3A_683, %get3A_690 : vector<16xf32>
        %add3A_692 = arith.constant 3 : i32
        %add3A_693 = arith.addi %mul3A_186, %add3A_692 : i32
        %get3A_694 = arith.index_cast %rem3A_85 : i32 to index
        %get3A_695 = arith.index_cast %add3A_693 : i32 to index
        %get3A_696 = arith.constant 48 : index
        %get3A_697 = tpu.vector_load %arg6[%get3A_694, %get3A_695, %get3A_696] {strides = array<i32>} : memref<2x640x64xf32, #tpu.memory_space<vmem>>, vector<1x1x16xf32>,
        %get3A_698 = vector.shape_cast %get3A_697 : vector<1x1x16xf32> to vector<16xf32>
        %add3A_699 = arith.addf %add3A_691, %get3A_698 : vector<16xf32>
        %add3A_700 = arith.constant 4 : i32
        %add3A_701 = arith.addi %mul3A_186, %add3A_700 : i32
        %get3A_702 = arith.index_cast %rem3A_85 : i32 to index
        %get3A_703 = arith.index_cast %add3A_701 : i32 to index
        %get3A_704 = arith.constant 48 : index
        %get3A_705 = tpu.vector_load %arg6[%get3A_702, %get3A_703, %get3A_704] {strides = array<i32>} : memref<2x640x64xf32, #tpu.memory_space<vmem>>, vector<1x1x16xf32>,
        %get3A_706 = vector.shape_cast %get3A_705 : vector<1x1x16xf32> to vector<16xf32>
        %add3A_707 = arith.addf %add3A_699, %get3A_706 : vector<16xf32>
        %add3A_708 = arith.constant 5 : i32
        %add3A_709 = arith.addi %mul3A_186, %add3A_708 : i32
        %get3A_710 = arith.index_cast %rem3A_85 : i32 to index
        %get3A_711 = arith.index_cast %add3A_709 : i32 to index
        %get3A_712 = arith.constant 48 : index
        %get3A_713 = tpu.vector_load %arg6[%get3A_710, %get3A_711, %get3A_712] {strides = array<i32>} : memref<2x640x64xf32, #tpu.memory_space<vmem>>, vector<1x1x16xf32>,
        %get3A_714 = vector.shape_cast %get3A_713 : vector<1x1x16xf32> to vector<16xf32>
        %add3A_715 = arith.addf %add3A_707, %get3A_714 : vector<16xf32>
        %add3A_716 = arith.constant 6 : i32
        %add3A_717 = arith.addi %mul3A_186, %add3A_716 : i32
        %get3A_718 = arith.index_cast %rem3A_85 : i32 to index
        %get3A_719 = arith.index_cast %add3A_717 : i32 to index
        %get3A_720 = arith.constant 48 : index
        %get3A_721 = tpu.vector_load %arg6[%get3A_718, %get3A_719, %get3A_720] {strides = array<i32>} : memref<2x640x64xf32, #tpu.memory_space<vmem>>, vector<1x1x16xf32>,
        %get3A_722 = vector.shape_cast %get3A_721 : vector<1x1x16xf32> to vector<16xf32>
        %add3A_723 = arith.addf %add3A_715, %get3A_722 : vector<16xf32>
        %add3A_724 = arith.constant 7 : i32
        %add3A_725 = arith.addi %mul3A_186, %add3A_724 : i32
        %get3A_726 = arith.index_cast %rem3A_85 : i32 to index
        %get3A_727 = arith.index_cast %add3A_725 : i32 to index
        %get3A_728 = arith.constant 48 : index
        %get3A_729 = tpu.vector_load %arg6[%get3A_726, %get3A_727, %get3A_728] {strides = array<i32>} : memref<2x640x64xf32, #tpu.memory_space<vmem>>, vector<1x1x16xf32>,
        %get3A_730 = vector.shape_cast %get3A_729 : vector<1x1x16xf32> to vector<16xf32>
        %add3A_731 = arith.addf %add3A_723, %get3A_730 : vector<16xf32>
        %add3A_732 = arith.constant 8 : i32
        %add3A_733 = arith.addi %mul3A_186, %add3A_732 : i32
        %get3A_734 = arith.index_cast %rem3A_85 : i32 to index
        %get3A_735 = arith.index_cast %add3A_733 : i32 to index
        %get3A_736 = arith.constant 48 : index
        %get3A_737 = tpu.vector_load %arg6[%get3A_734, %get3A_735, %get3A_736] {strides = array<i32>} : memref<2x640x64xf32, #tpu.memory_space<vmem>>, vector<1x1x16xf32>,
        %get3A_738 = vector.shape_cast %get3A_737 : vector<1x1x16xf32> to vector<16xf32>
        %add3A_739 = arith.addf %add3A_731, %get3A_738 : vector<16xf32>
        %add3A_740 = arith.constant 9 : i32
        %add3A_741 = arith.addi %mul3A_186, %add3A_740 : i32
        %get3A_742 = arith.index_cast %rem3A_85 : i32 to index
        %get3A_743 = arith.index_cast %add3A_741 : i32 to index
        %get3A_744 = arith.constant 48 : index
        %get3A_745 = tpu.vector_load %arg6[%get3A_742, %get3A_743, %get3A_744] {strides = array<i32>} : memref<2x640x64xf32, #tpu.memory_space<vmem>>, vector<1x1x16xf32>,
        %get3A_746 = vector.shape_cast %get3A_745 : vector<1x1x16xf32> to vector<16xf32>
        %add3A_747 = arith.addf %add3A_739, %get3A_746 : vector<16xf32>
        %add3A_748 = arith.constant 10 : i32
        %add3A_749 = arith.addi %mul3A_186, %add3A_748 : i32
        %get3A_750 = arith.index_cast %rem3A_85 : i32 to index
        %get3A_751 = arith.index_cast %add3A_749 : i32 to index
        %get3A_752 = arith.constant 48 : index
        %get3A_753 = tpu.vector_load %arg6[%get3A_750, %get3A_751, %get3A_752] {strides = array<i32>} : memref<2x640x64xf32, #tpu.memory_space<vmem>>, vector<1x1x16xf32>,
        %get3A_754 = vector.shape_cast %get3A_753 : vector<1x1x16xf32> to vector<16xf32>
        %add3A_755 = arith.addf %add3A_747, %get3A_754 : vector<16xf32>
        %add3A_756 = arith.constant 11 : i32
        %add3A_757 = arith.addi %mul3A_186, %add3A_756 : i32
        %get3A_758 = arith.index_cast %rem3A_85 : i32 to index
        %get3A_759 = arith.index_cast %add3A_757 : i32 to index
        %get3A_760 = arith.constant 48 : index
        %get3A_761 = tpu.vector_load %arg6[%get3A_758, %get3A_759, %get3A_760] {strides = array<i32>} : memref<2x640x64xf32, #tpu.memory_space<vmem>>, vector<1x1x16xf32>,
        %get3A_762 = vector.shape_cast %get3A_761 : vector<1x1x16xf32> to vector<16xf32>
        %add3A_763 = arith.addf %add3A_755, %get3A_762 : vector<16xf32>
        %add3A_764 = arith.constant 12 : i32
        %add3A_765 = arith.addi %mul3A_186, %add3A_764 : i32
        %get3A_766 = arith.index_cast %rem3A_85 : i32 to index
        %get3A_767 = arith.index_cast %add3A_765 : i32 to index
        %get3A_768 = arith.constant 48 : index
        %get3A_769 = tpu.vector_load %arg6[%get3A_766, %get3A_767, %get3A_768] {strides = array<i32>} : memref<2x640x64xf32, #tpu.memory_space<vmem>>, vector<1x1x16xf32>,
        %get3A_770 = vector.shape_cast %get3A_769 : vector<1x1x16xf32> to vector<16xf32>
        %add3A_771 = arith.addf %add3A_763, %get3A_770 : vector<16xf32>
        %add3A_772 = arith.constant 13 : i32
        %add3A_773 = arith.addi %mul3A_186, %add3A_772 : i32
        %get3A_774 = arith.index_cast %rem3A_85 : i32 to index
        %get3A_775 = arith.index_cast %add3A_773 : i32 to index
        %get3A_776 = arith.constant 48 : index
        %get3A_777 = tpu.vector_load %arg6[%get3A_774, %get3A_775, %get3A_776] {strides = array<i32>} : memref<2x640x64xf32, #tpu.memory_space<vmem>>, vector<1x1x16xf32>,
        %get3A_778 = vector.shape_cast %get3A_777 : vector<1x1x16xf32> to vector<16xf32>
        %add3A_779 = arith.addf %add3A_771, %get3A_778 : vector<16xf32>
        %add3A_780 = arith.constant 14 : i32
        %add3A_781 = arith.addi %mul3A_186, %add3A_780 : i32
        %get3A_782 = arith.index_cast %rem3A_85 : i32 to index
        %get3A_783 = arith.index_cast %add3A_781 : i32 to index
        %get3A_784 = arith.constant 48 : index
        %get3A_785 = tpu.vector_load %arg6[%get3A_782, %get3A_783, %get3A_784] {strides = array<i32>} : memref<2x640x64xf32, #tpu.memory_space<vmem>>, vector<1x1x16xf32>,
        %get3A_786 = vector.shape_cast %get3A_785 : vector<1x1x16xf32> to vector<16xf32>
        %add3A_787 = arith.addf %add3A_779, %get3A_786 : vector<16xf32>
        %add3A_788 = arith.constant 15 : i32
        %add3A_789 = arith.addi %mul3A_186, %add3A_788 : i32
        %get3A_790 = arith.index_cast %rem3A_85 : i32 to index
        %get3A_791 = arith.index_cast %add3A_789 : i32 to index
        %get3A_792 = arith.constant 48 : index
        %get3A_793 = tpu.vector_load %arg6[%get3A_790, %get3A_791, %get3A_792] {strides = array<i32>} : memref<2x640x64xf32, #tpu.memory_space<vmem>>, vector<1x1x16xf32>,
        %get3A_794 = vector.shape_cast %get3A_793 : vector<1x1x16xf32> to vector<16xf32>
        %add3A_795 = arith.addf %add3A_787, %get3A_794 : vector<16xf32>
        %add3A_796 = arith.constant 16 : i32
        %add3A_797 = arith.addi %mul3A_186, %add3A_796 : i32
        %get3A_798 = arith.index_cast %rem3A_85 : i32 to index
        %get3A_799 = arith.index_cast %add3A_797 : i32 to index
        %get3A_800 = arith.constant 48 : index
        %get3A_801 = tpu.vector_load %arg6[%get3A_798, %get3A_799, %get3A_800] {strides = array<i32>} : memref<2x640x64xf32, #tpu.memory_space<vmem>>, vector<1x1x16xf32>,
        %get3A_802 = vector.shape_cast %get3A_801 : vector<1x1x16xf32> to vector<16xf32>
        %add3A_803 = arith.addf %add3A_795, %get3A_802 : vector<16xf32>
        %add3A_804 = arith.constant 17 : i32
        %add3A_805 = arith.addi %mul3A_186, %add3A_804 : i32
        %get3A_806 = arith.index_cast %rem3A_85 : i32 to index
        %get3A_807 = arith.index_cast %add3A_805 : i32 to index
        %get3A_808 = arith.constant 48 : index
        %get3A_809 = tpu.vector_load %arg6[%get3A_806, %get3A_807, %get3A_808] {strides = array<i32>} : memref<2x640x64xf32, #tpu.memory_space<vmem>>, vector<1x1x16xf32>,
        %get3A_810 = vector.shape_cast %get3A_809 : vector<1x1x16xf32> to vector<16xf32>
        %add3A_811 = arith.addf %add3A_803, %get3A_810 : vector<16xf32>
        %add3A_812 = arith.constant 18 : i32
        %add3A_813 = arith.addi %mul3A_186, %add3A_812 : i32
        %get3A_814 = arith.index_cast %rem3A_85 : i32 to index
        %get3A_815 = arith.index_cast %add3A_813 : i32 to index
        %get3A_816 = arith.constant 48 : index
        %get3A_817 = tpu.vector_load %arg6[%get3A_814, %get3A_815, %get3A_816] {strides = array<i32>} : memref<2x640x64xf32, #tpu.memory_space<vmem>>, vector<1x1x16xf32>,
        %get3A_818 = vector.shape_cast %get3A_817 : vector<1x1x16xf32> to vector<16xf32>
        %add3A_819 = arith.addf %add3A_811, %get3A_818 : vector<16xf32>
        %add3A_820 = arith.constant 19 : i32
        %add3A_821 = arith.addi %mul3A_186, %add3A_820 : i32
        %get3A_822 = arith.index_cast %rem3A_85 : i32 to index
        %get3A_823 = arith.index_cast %add3A_821 : i32 to index
        %get3A_824 = arith.constant 48 : index
        %get3A_825 = tpu.vector_load %arg6[%get3A_822, %get3A_823, %get3A_824] {strides = array<i32>} : memref<2x640x64xf32, #tpu.memory_space<vmem>>, vector<1x1x16xf32>,
        %get3A_826 = vector.shape_cast %get3A_825 : vector<1x1x16xf32> to vector<16xf32>
        %add3A_827 = arith.addf %add3A_819, %get3A_826 : vector<16xf32>
        %swap3A_828 = arith.index_cast %scan3A_183 : i32 to index
        %swap3A_829 = arith.constant 48 : index
        %swap3A_830 = tpu.vector_load %arg7[%swap3A_828, %swap3A_829] {strides = array<i32>} : memref<32x64xf32, #tpu.memory_space<vmem>>, vector<1x16xf32>,
        %swap3A_831 = vector.shape_cast %swap3A_830 : vector<1x16xf32> to vector<16xf32>
        %swap3A_832 = vector.shape_cast %add3A_827 : vector<16xf32> to vector<1x16xf32>
        tpu.vector_store %arg7[%swap3A_828, %swap3A_829], %swap3A_832 {strides = array<i32>} : memref<32x64xf32, #tpu.memory_space<vmem>>, vector<1x16xf32>,
        %scan3A_833 = arith.constant 0 : i32
        scf.yield %scan3A_833 : i32
      }
      %scan3A_176 = arith.constant 32 : i32
      %mul3A_177 = arith.constant 512 : i32
      %mul3A_178 = arith.muli %add3A, %mul3A_177 : i32
      %mul3A_179 = arith.constant 32 : i32
      %mul3A_180 = arith.muli %scan3A_83, %mul3A_179 : i32
      %add3A_181 = arith.addi %mul3A_178, %mul3A_180 : i32
      "tpu.region"() ({
        %run_scoped3A = tpu.sem_alloc : memref<!tpu.dma_semaphore, #tpu.memory_space<semaphore_mem>>
        %dma_start3A_183 = arith.constant 0 : i32
        %dma_start3A_184 = tpu.memref_slice %arg4[%add3A_181, %dma_start3A_183] : memref<16384x64xf32, #tpu.memory_space<hbm>> -> memref<32x64xf32, #tpu.memory_space<hbm>>
        %dma_start3A_185 = arith.constant 0 : i32
        %dma_start3A_186 = tpu.memref_slice %arg4[%add3A_181, %dma_start3A_185] : memref<16384x64xf32, #tpu.memory_space<hbm>> -> memref<32x64xf32, #tpu.memory_space<hbm>>
        tpu.enqueue_dma source(%arg7 : memref<32x64xf32, #tpu.memory_space<vmem>>) target(%dma_start3A_186 : memref<32x64xf32, #tpu.memory_space<hbm>>) target_semaphore(%run_scoped3A : memref<!tpu.dma_semaphore, #tpu.memory_space<semaphore_mem>>)
        %dma_wait3A_187 = arith.constant 0 : i32
        %dma_wait3A_188 = tpu.memref_slice %arg4[%add3A_181, %dma_wait3A_187] : memref<16384x64xf32, #tpu.memory_space<hbm>> -> memref<32x64xf32, #tpu.memory_space<hbm>>
        %dma_wait3A_189 = arith.constant 0 : i32
        %dma_wait3A_190 = tpu.memref_slice %arg4[%add3A_181, %dma_wait3A_189] : memref<16384x64xf32, #tpu.memory_space<hbm>> -> memref<32x64xf32, #tpu.memory_space<hbm>>
        tpu.wait_dma2 semaphore(%run_scoped3A : memref<!tpu.dma_semaphore, #tpu.memory_space<semaphore_mem>>) src(%arg7 : memref<32x64xf32, #tpu.memory_space<vmem>>) dst(%dma_wait3A_190 : memref<32x64xf32, #tpu.memory_space<hbm>>)
        tpu.yield
      }) : () -> ()
      %scan3A_182 = arith.constant 0 : i32
      scf.yield %scan3A_182 : i32
    }
    %scan3A_82 = arith.constant 16 : i32
    return
  }
}

</mosaic_0001>

<sc_bundles>
// kernel: kernel.3.cloned.1.call-start
scs
__scs_entry_jumppad:
0x0: {  	(pc) =	sbr.rel $0x88, $3  }
0x1: {  	(tag) =	ssettag $0x0;
	lr =	simm.s32 $0x1  }
0x2: {  	[smem:$0x3F9C] =	sst lr;
	_ =	strace $0xD0000000  }
0x3: {  	_ = 	snop  }
0x4: {  	_ = 	snop  }
0x5: {  	_ = 	snop  }
0x6: {  	_ = 	snop  }
0x7: {  	_ = 	snop  }
__scs_overlays_trampoline_lowered:
0x8: {  	[smem:$0x3FAB] =	sst s0  }
0x9: {  	[smem:$0x3FAC] =	sst s1  }
0xa: {  	[smem:$0x3FAD] =	sst s2  }
0xb: {  	[smem:$0x3FAE] =	sst s3  }
0xc: {  	[smem:$0x3FAF] =	sst s4  }
0xd: {  	[smem:$0x3FB0] =	sst s5  }
0xe: {  	[smem:$0x3FB1] =	sst s6  }
0xf: {  	[smem:$0x3FB2] =	sst s7  }
0x10: {  	[smem:$0x3FB3] =	sst s8  }
0x11: {  	[smem:$0x3FB4] =	sst s9;
	s0 =	simm.s32 @!p0 $0x0  }
0x12: {  	s1 =	sld [smem:$0x3F9A];
	s0 =	simm.s32 @p0 $0x1  }
0x13: {  	[smem:$0x3FB5] =	sst s0;
	s0 =	simm.s32 @!p1 $0x0  }
0x14: {  	s2 =	sld [smem:$0x3F99];
	s0 =	simm.s32 @p1 $0x1  }
0x15: {  	[smem:$0x3FB6] =	sst s0;
	s0 =	simm.s32 @!p2 $0x0  }
0x16: {  	s3 =	sld [smem:$0x3FDB];
	s0 =	simm.s32 @p2 $0x1  }
0x17: {  	s4 =	simm.s32 $0x1BF5;
	[smem:$0x3FB8] =	sst s0  }
0x18: {  	s0 =	sld [smem:$0x3F9B];
	_ =	swait.ge [sflag:s4], $0x0  }
0x19: {  	s7 =	sld [smem:$0x3F9C]  }
0x1a: {  	s8 =	sadd.s32 $0xFFFFE003, lr  }
0x1b: {  	s9 =	sadd.s32 $0xFFFFFEF7, lr;
	s5 =	simm.s32 $0xFFFFFFFF;
	p2 =	slt.u32 s8, $0xFFFFF086  }
0x1c: {  	p1 =	slt.u32 s9, $0xF7A;
	s5 =	simm.s32 @!p2 $0x0  }
0x1d: {  	s5 =	simm.s32 @p1 $0x1;
	p0 =	seq.s32 s7, s2  }
0x1e: {  	s7 =	smul.u32 @!p0 $0xF7A, s2;
	p2 =	seq.s32 @!p0 s5, $0x0  }
0x1f: {  	s9 =	smul.u32 $0xF7A, s1;
	s8 =	simm.s32 @!p0 $0x1BF5;
	p2 =	por !p2, p0  }
0x20: {  	[sflag:s8] =	ssyncset.s32 @!p0 $0xFFFFF086;
	s6 =	sadd.s32 @!p0 s3, s7;
	s7 =	simm.s32 @!p0 $0x108  }
0x21: {  	s3 =	sadd.s32 s3, s9;
	s6 =	sadd.s32 @!p0 $0x88, s6;
	s7 =	simm.s32 @p2 $0x1082  }
0x22: {  	[simem:s7], [sflag:s8] =	dma.local @!p0 [hbm:s6], $0xF7A  }
0x23: {  	s9 =	sor.u32 $0xD0000000, s2;
	s6 =	simm.s32 $0x108;
	_ =	swait.ge @!p0 [sflag:s8], $0x0  }
0x24: {  	s3 =	sadd.s32 $0x88, s3;
	s6 =	simm.s32 @!p1 $0x1082;
	[sflag:s4] =	ssyncset.s32 $0xFFFFF086  }
0x25: {  	[simem:s6], [sflag:s4] =	dma.local [hbm:s3], $0xF7A  }
0x26: {  	[smem:$0x3F9C] =	sst s1;
	(tag) =	ssettag s2;
	_ =	strace s9  }
0x27: {  	s1 =	sld [smem:$0x3FAC]  }
0x28: {  	s2 =	sld [smem:$0x3FAD]  }
0x29: {  	s4 =	sld [smem:$0x3FAF]  }
0x2a: {  	p0 =	seq.s32 s5, $0x0;
	s5 =	sld [smem:$0x3FB0]  }
0x2b: {  	s6 =	sld [smem:$0x3FB1]  }
0x2c: {  	s7 =	sld [smem:$0x3FB2]  }
0x2d: {  	s3 =	simm.s32 $0x108;
	s8 =	sld [smem:$0x3FB3]  }
0x2e: {  	s3 =	simm.s32 @!p0 $0x1082;
	s9 =	sld [smem:$0x3FB4]  }
0x2f: {  	lr =	sadd.s32 s0, s3;
	s0 =	sld [smem:$0x3FAB]  }
0x30: {  	s3 =	sld [smem:$0x3FAE]  }
0x31: {  	[smem:$0x3FB7] =	sst s10  }
0x32: {  	s10 =	sld [smem:$0x3FB5];
	_ =	sdelay $0x3  }
0x33: {  	p0 =	seq.s32 s10, $0x1;
	s10 =	sld [smem:$0x3FB7];
	_ =	sdelay $0x3  }
0x34: {  	[smem:$0x3FB7] =	sst s10  }
0x35: {  	s10 =	sld [smem:$0x3FB6];
	_ =	sdelay $0x3  }
0x36: {  	p1 =	seq.s32 s10, $0x1;
	s10 =	sld [smem:$0x3FB7];
	_ =	sdelay $0x3  }
0x37: {  	[smem:$0x3FB7] =	sst s10  }
0x38: {  	s10 =	sld [smem:$0x3FB8]  }
0x39: {  	_ = 	snop;
	(pc) =	sbr.ind lr, $3  }
0x3a: {  	_ = 	snop  }
0x3b: {  	_ = 	snop  }
0x3c: {  	p2 =	seq.s32 s10, $0x1;
	s10 =	sld [smem:$0x3FB7]  }
0x3d: {  	_ =	shalt  }
0x3e: {  	_ =	shalt  }
0x3f: {  	_ =	shalt  }
0x40: {  	_ =	shalt  }
0x41: {  	_ =	shalt  }
0x42: {  	_ =	shalt  }
0x43: {  	_ =	shalt  }
0x44: {  	_ =	shalt  }
0x45: {  	_ =	shalt  }
0x46: {  	_ =	shalt  }
0x47: {  	_ =	shalt  }
0x48: {  	_ =	shalt  }
0x49: {  	_ =	shalt  }
0x4a: {  	_ =	shalt  }
0x4b: {  	_ =	shalt  }
0x4c: {  	_ =	shalt  }
0x4d: {  	_ =	shalt  }
0x4e: {  	_ =	shalt  }
0x4f: {  	_ =	shalt  }
0x50: {  	_ =	shalt  }
0x51: {  	_ =	shalt  }
0x52: {  	_ =	shalt  }
0x53: {  	_ =	shalt  }
0x54: {  	_ =	shalt  }
0x55: {  	_ =	shalt  }
0x56: {  	_ =	shalt  }
0x57: {  	_ =	shalt  }
0x58: {  	_ =	shalt  }
0x59: {  	_ =	shalt  }
0x5a: {  	_ =	shalt  }
0x5b: {  	_ =	shalt  }
0x5c: {  	_ =	shalt  }
0x5d: {  	_ =	shalt  }
0x5e: {  	_ =	shalt  }
0x5f: {  	_ =	shalt  }
0x60: {  	_ =	shalt  }
0x61: {  	_ =	shalt  }
0x62: {  	_ =	shalt  }
0x63: {  	_ =	shalt  }
0x64: {  	_ =	shalt  }
0x65: {  	_ =	shalt  }
0x66: {  	_ =	shalt  }
0x67: {  	_ =	shalt  }
0x68: {  	_ =	shalt  }
0x69: {  	_ =	shalt  }
0x6a: {  	_ =	shalt  }
0x6b: {  	_ =	shalt  }
0x6c: {  	_ =	shalt  }
0x6d: {  	_ =	shalt  }
0x6e: {  	_ =	shalt  }
0x6f: {  	_ =	shalt  }
0x70: {  	_ =	shalt  }
0x71: {  	_ =	shalt  }
0x72: {  	_ =	shalt  }
0x73: {  	_ =	shalt  }
0x74: {  	_ =	shalt  }
0x75: {  	_ =	shalt  }
0x76: {  	_ =	shalt  }
0x77: {  	_ =	shalt  }
0x78: {  	_ =	shalt  }
0x79: {  	_ =	shalt  }
0x7a: {  	_ =	shalt  }
0x7b: {  	_ =	shalt  }
0x7c: {  	_ =	shalt  }
0x7d: {  	_ =	shalt  }
0x7e: {  	_ =	shalt  }
0x7f: {  	_ =	shalt  }
0x80: {  	_ =	shalt  }
0x81: {  	_ =	shalt  }
0x82: {  	_ =	shalt  }
0x83: {  	_ =	shalt  }
0x84: {  	_ =	shalt  }
0x85: {  	_ =	shalt  }
0x86: {  	_ =	shalt  }
0x87: {  	_ =	shalt  }
.Lfunc_end0:
.L_simem_size_0:
called_computation_lowered:
.L_overlay_start_0:
0x88: {  	s2 =	sld [smem:$0x3FD9]  }
0x89: {  	s3 =	sld [smem:$0x3FFE];
	_ =	sdelay $0x1  }
0x8a: {  	s1 =	srdreg.scid  }
0x8b: {  	s0 =	sand.u32 $0x1, s1  }
0x8c: {  	s17 =	sshll.u32 s0, $0xA;
	s2 =	sadd.s32 s3, s2  }
0x8d: {  	s2 =	sadd.s32 s2, s17  }
0x8e: {  	[smem:$0x3FC3] =	sst s2  }
0x8f: {  	_ = 	snop  }
0x90: {  	s2 =	sld [smem:$0x3FD0];
	(tm) =	ssettm $0x1  }
0x91: {  	s18 =	sld [smem:$0x3FFB];
	_ =	sdelay $0x3  }
0x92: {  	_ =	strace s18  }
0x93: {  	s3 =	sld [smem:$0x3FFC];
	_ =	sdelay $0x3  }
0x94: {  	_ =	strace s3  }
0x95: {  	s3 =	sld [smem:$0x3FFD];
	_ =	sdelay $0x3  }
0x96: {  	_ =	strace s3  }
0x97: {  	_ =	strace $0x8FFFFFFF  }
0x98: {  	s19 =	sld [smem:$0x3FDB];
	_ =	sdelay $0x1  }
0x99: {  	s4 =	simm.s32 $_scs_section_size  }
0x9a: {  	s5 =	simm.s32 $_size__tile_overlayer_lowered;
	s6 =	simm.s32 $_tile_overlayer_lowered  }
0x9b: {  	s22 =	simm.s32 $0x1BFF;
	s21 =	sshll.u32 s6, $0x1;
	s3 =	sadd.s32 s4, s19  }
0x9c: {  	s7 =	simm.s32 $0x0;
	s20 =	sshll.u32 s5, $0x1;
	s5 =	sadd.s32 s21, s3  }
0x9d: {  	[timem:s7], [sflag:s22] =	dma.local [hbm:s5], s20  }
0x9e: {  	_ =	swait.ge [sflag:s22], s20  }
0x9f: {  	s4 =	ssub.s32 $0x0, s20;
	[sflag:s22] =	ssyncset.done $0x0  }
0xa0: {  	[sflag:s22] =	ssyncadd.s32 s4;
	_ =	sdelay $0x1  }
0xa1: {  	s23 =	simm.s32 $0x1B8B  }
0xa2: {  	_ =	swait.ge [sflag:s23], $0x1  }
0xa3: {  	[sflag:s23] =	ssyncset.done $0x0  }
0xa4: {  	s25 =	simm.s32 $0x1B8E;
	s24 =	sld [smem:$0x3FFE];
	[sflag:s23] =	ssyncadd.s32 $0xFFFFFFFF  }
0xa5: {  	s26 =	simm.s32 $execute0_lowered;
	[smem:$0x3FD2] =	sst s25  }
0xa6: {  	s5 =	sshll.u32 s26, $0x1;
	_ =	strace $0x80000046;
	[dreg:$0x1] =	wrdreg $0xFFFFFFFF  }
0xa7: {  	s28 =	simm.s32 $_size_execute0_lowered;
	s3 =	sadd.s32 s3, s5;
	[dreg:$0x0] =	wrdreg $0x0  }
0xa8: {  	s5 =	sshll.u32 s28, $0x1;
	[dreg:$0x2] =	wrdreg s3  }
0xa9: {  	[dreg:$0x3] =	wrdreg s5  }
0xaa: {  	[dreg:$0x4] =	wrdreg $0xC0  }
0xab: {  	_ =	task [dreg:s7], $0x5FFFF  }
0xac: {  	[dreg:$0x1] =	wrdreg $0xFFFFFFFF  }
0xad: {  	[dreg:$0x0] =	wrdreg $0x60  }
0xae: {  	[dreg:$0x2] =	wrdreg s24  }
0xaf: {  	[dreg:$0x3] =	wrdreg s2  }
0xb0: {  	[dreg:$0x4] =	wrdreg $0x9  }
0xb1: {  	_ =	task.clear_ibuf [dreg:s7], $0x5FFFF;
	_ =	strace $0x90000046  }
0xb2: {  	s29 =	simm.s32 $0x9;
	_ =	strace $0x80000048  }
0xb3: {  	_ =	swait.ge [sflag:s29], $0x1  }
0xb4: {  	[sflag:s29] =	ssyncadd.s32 $0xFFFFFFFF  }
0xb5: {  	_ =	strace $0x90000048  }
0xb6: {  	_ =	sfence  }
0xb7: {  	s30 =	sld [smem:$0x0];
	_ =	sdelay $0x2  }
0xb8: {  	s31 =	sshll.u32 s1, $0xD;
	s1 =	sshrl.u32 s1, $0x2  }
0xb9: {  	s3 =	sand.u32 $0x4000, s31;
	s1 =	sadd.s32 s1, s30  }
0xba: {  	s0 =	sor.u32 s3, s0;
	s1 =	sshll.u32 s1, $0x11  }
0xbb: {  	s0 =	sor.u32 s1, s0  }
0xbc: {  	s0 =	sadd.s32 $0x8F2B, s0  }
0xbd: {  	[sflag:s0] =	ssyncadd.remote.s32 $0x1  }
0xbe: {  	_ =	sfence.sel $0xFFFF  }
0xbf: {  	[dreg:$0x0] =	wrdreg $0xFFFFFFFF;
	(pc) =	sbr.abs _section_cstart, $3  }
0xc0: {  	[dreg:$0x1] =	wrdreg $0xFFFFFFFF  }
0xc1: {  	_ =	task.clear_ibuf [dreg:s7], $0x2FFFF;
	_ =	strace $0x9FFFFFFF  }
0xc2: {  	(tm) =	ssettm $0x7FFFFFFF  }
0xc3: {  	_ =	shalt  }
tec
execute0_lowered:
.L_overlay_start_1:
0x0: {  	(tag) =	ssettag $0x1  }
0x1: {  	s4 =	rddreg [dreg:$0x0]  }
0x2: {  	s1 =	srdreg.scid;
	s0 =	stileid.u32  }
0x3: {  	s5 =	rddreg [dreg:$0x1];
	s2 =	simm.s32 $0x0;
	s10 =	simm.s32 $0x4800  }
0x4: {  	s11 =	simm.s32 $0x100;
	s12 =	simm.s32 $0x6800;
	s13 =	simm.s32 $0x180  }
0x5: {  	s14 =	simm.s32 $0x8800;
	s15 =	simm.s32 $0x200;
	s16 =	simm.s32 $0xA800  }
0x6: {  	s17 =	simm.s32 $0x16800;
	s3 =	sand.u32 $0x1, s1;
	s1 =	rddreg [dreg:$0x2]  }
0x7: {  	s18 =	simm.s32 $0x0;
	s6 =	sshll.u32 s0, $0x1;
	[smem:$0x7FF] =	sst s2  }
0x8: {  	s6 =	sor.u32 s3, s6;
	s8 =	ssub.s32 $0x2, s3;
	_ =	strace $0x80000047  }
0x9: {  	s7 =	smul.u32 $0x500, s6;
	s9 =	sshrl.u32 s8, $0x1;
	s6 =	sshll.u32 s6, $0xC  }
0xa: {  	s3 =	sadd.s32 $0xF43000, s4;
	s31 =	ssub.s32 s8, s9;
	s5 =	sadd.s32 s5, s6  }
0xb: {  	s8 =	simm.s32 $0x80;
	s9 =	simm.s32 $0x2800;
	s4 =	sadd.s32 s7, s4  }
0xc: {  	s6 =	smax.u32 s31, $0x1;
	s7 =	simm.s32 $0x3;
	s4 =	sadd.s32 $0xC00, s4  }
.LBB2_1:
0xd: {  	[tilespmem:s2], [sflag:$0x3] =	stream.linear.gather [hbm4b:s4+s2], $0x2800, $0x38;
	[tilespmem:$0x17000] =	vst v63  }
0xe: {  	_ =	swait.ge [sflag:s7], $0x2800  }
0xf: {  	[sflag:s7] =	ssyncset.done $0x0  }
0x10: {  	[sflag:s7] =	ssyncadd.s32 $0xFFFFD800  }
0x11: {  	[tilespmem:s9], [sflag:$0x1] =	stream.indirect.gather [hbm4b:s3+s8], $0x40, s2, s8, $0xb8;
	[tilespmem:$0x17000] =	vst v63  }
0x12: {  	_ = 	snop  }
0x13: {  	[tilespmem:s10], [sflag:$0x1] =	stream.indirect.gather [hbm4b:s3+s8], $0x40, s8, s8, $0xb8;
	[tilespmem:$0x17000] =	vst v63  }
0x14: {  	_ = 	snop  }
0x15: {  	[tilespmem:s12], [sflag:$0x1] =	stream.indirect.gather [hbm4b:s3+s8], $0x40, s11, s8, $0xb8;
	[tilespmem:$0x17000] =	vst v63  }
0x16: {  	_ = 	snop  }
0x17: {  	[tilespmem:s14], [sflag:$0x1] =	stream.indirect.gather [hbm4b:s3+s8], $0x40, s13, s8, $0xb8;
	[tilespmem:$0x17000] =	vst v63  }
0x18: {  	p0 =	por $0x0, $0x0;
	s20 =	simm.s32 $0x0  }
0x19: {  	[tilespmem:s16], [sflag:$0x1] =	stream.indirect.gather [hbm4b:s3+s8], $0x40, s15, s8, $0xb8;
	[tilespmem:$0x17000] =	vst v63  }
.LBB2_2:
0x1a: {  	s21 =	sand.u32 $0x1, s20;
	p1 =	seq.s32 s20, $0xF  }
0x1b: {  	s22 =	sxor.u32 @!p1 $0x1, s21  }
0x1c: {  	s19 =	sadd.s32 $0x1, s20;
	s23 =	smul.u32 @!p1 $0x28000, s22  }
0x1d: {  	s24 =	smul.u32 @!p1 $0xA00, s19  }
0x1e: {  	s26 =	simm.s32 @!p1 $0x80;
	s23 =	sshrl.u32 @!p1 s23, $0x2  }
0x1f: {  	s22 =	sadd.s32 @!p1 $0x1, s22;
	s24 =	sshra.s32 @!p1 s24, $0x2;
	s25 =	sadd.s32 @!p1 $0x2800, s23  }
0x20: {  	[tilespmem:s25], [sflag:s22] =	stream.indirect.gather @!p1 [hbm4b:s3+s26], $0x40, s24, s26, $0xb8;
	[tilespmem:$0x17000] =	vst v63  }
0x21: {  	s28 =	sadd.s32 @!p1 $0x80, s24;
	s25 =	sadd.s32 @!p1 $0x4800, s23  }
0x22: {  	[tilespmem:s25], [sflag:s22] =	stream.indirect.gather @!p1 [hbm4b:s3+s26], $0x40, s28, s26, $0xb8;
	[tilespmem:$0x17000] =	vst v63  }
0x23: {  	s25 =	sadd.s32 @!p1 $0x6800, s23;
	s28 =	sadd.s32 @!p1 $0x100, s24  }
0x24: {  	[tilespmem:s25], [sflag:s22] =	stream.indirect.gather @!p1 [hbm4b:s3+s26], $0x40, s28, s26, $0xb8;
	[tilespmem:$0x17000] =	vst v63  }
0x25: {  	s25 =	sadd.s32 @!p1 $0x8800, s23;
	s28 =	sadd.s32 @!p1 $0x180, s24  }
0x26: {  	[tilespmem:s25], [sflag:s22] =	stream.indirect.gather @!p1 [hbm4b:s3+s26], $0x40, s28, s26, $0xb8;
	[tilespmem:$0x17000] =	vst v63  }
0x27: {  	s31 =	sadd.s32 $0x1, s21;
	s23 =	sadd.s32 @!p1 $0xA800, s23;
	s24 =	sadd.s32 @!p1 $0x200, s24  }
0x28: {  	[tilespmem:s23], [sflag:s22] =	stream.indirect.gather @!p1 [hbm4b:s3+s26], $0x40, s24, s26, $0xb8;
	[tilespmem:$0x17000] =	vst v63  }
0x29: {  	_ =	swait.ge [sflag:s31], $0x2000  }
0x2a: {  	[sflag:s31] =	ssyncset.done $0x0  }
0x2b: {  	[sflag:s31] =	ssyncadd.s32 $0xFFFFE000  }
0x2c: {  	_ =	swait.ge [sflag:s31], $0x2000  }
0x2d: {  	[sflag:s31] =	ssyncset.done $0x0  }
0x2e: {  	[sflag:s31] =	ssyncadd.s32 $0xFFFFE000  }
0x2f: {  	_ =	swait.ge [sflag:s31], $0x2000  }
0x30: {  	[sflag:s31] =	ssyncset.done $0x0  }
0x31: {  	[sflag:s31] =	ssyncadd.s32 $0xFFFFE000  }
0x32: {  	s21 =	simm.s32 $0x1;
	_ =	swait.ge [sflag:s31], $0x2000  }
0x33: {  	s21 =	simm.s32 @!p0 $0x0;
	[sflag:s31] =	ssyncset.done $0x0  }
0x34: {  	s21 =	smul.u32 $0x28000, s21;
	[sflag:s31] =	ssyncadd.s32 $0xFFFFE000  }
0x35: {  	_ =	swait.ge [sflag:s31], $0x2000  }
0x36: {  	s21 =	sshrl.u32 s21, $0x2;
	[sflag:s31] =	ssyncset.done $0x0  }
0x37: {  	s21 =	sadd.s32 $0x2A80, s21;
	[sflag:s31] =	ssyncadd.s32 $0xFFFFE000  }
0x38: {  	v0 =	vld [tilespmem:s21+$0xFFFFFDC0]  }
0x39: {  	v1 =	vld [tilespmem:s21+$0xFFFFFD80];
	_ =	sdelay $0x1  }
0x3a: {  	v2 =	vld [tilespmem:s21+$0xFFFFFE00];
	_ =	sdelay $0x1  }
0x3b: {  	v3 =	vld [tilespmem:s21+$0xFFFFFE40]  }
0x3c: {  	v0 =	vadd.f32 v0, v1  }
0x3d: {  	v1 =	vld [tilespmem:s21+$0xFFFFFE80]  }
0x3e: {  	v0 =	vadd.f32 v2, v0  }
0x3f: {  	v2 =	vld [tilespmem:s21+$0xFFFFFEC0]  }
0x40: {  	v0 =	vadd.f32 v3, v0  }
0x41: {  	v3 =	vld [tilespmem:s21+$0xFFFFFF00]  }
0x42: {  	v0 =	vadd.f32 v1, v0  }
0x43: {  	v1 =	vld [tilespmem:s21+$0xFFFFFF40]  }
0x44: {  	v0 =	vadd.f32 v2, v0  }
0x45: {  	v2 =	vld [tilespmem:s21+$0xFFFFFF80]  }
0x46: {  	v0 =	vadd.f32 v3, v0  }
0x47: {  	v3 =	vld [tilespmem:s21+$0xFFFFFFC0]  }
0x48: {  	v0 =	vadd.f32 v1, v0  }
0x49: {  	v1 =	vld [tilespmem:s21+$0x0]  }
0x4a: {  	v0 =	vadd.f32 v2, v0  }
0x4b: {  	v2 =	vld [tilespmem:s21+$0x40]  }
0x4c: {  	v0 =	vadd.f32 v3, v0  }
0x4d: {  	v3 =	vld [tilespmem:s21+$0x80]  }
0x4e: {  	v0 =	vadd.f32 v1, v0  }
0x4f: {  	v1 =	vld [tilespmem:s21+$0xC0]  }
0x50: {  	v0 =	vadd.f32 v2, v0  }
0x51: {  	v2 =	vld [tilespmem:s21+$0x100]  }
0x52: {  	v0 =	vadd.f32 v3, v0  }
0x53: {  	v3 =	vld [tilespmem:s21+$0x140]  }
0x54: {  	v0 =	vadd.f32 v1, v0  }
0x55: {  	v1 =	vld [tilespmem:s21+$0x180]  }
0x56: {  	v0 =	vadd.f32 v2, v0  }
0x57: {  	v2 =	vld [tilespmem:s21+$0x1C0]  }
0x58: {  	v0 =	vadd.f32 v3, v0  }
0x59: {  	v3 =	vld [tilespmem:s21+$0x200]  }
0x5a: {  	v0 =	vadd.f32 v1, v0  }
0x5b: {  	v1 =	vld [tilespmem:s21+$0x240]  }
0x5c: {  	v0 =	vadd.f32 v2, v0;
	_ =	sdelay $0x1  }
0x5d: {  	v0 =	vadd.f32 v3, v0;
	_ =	sdelay $0x1  }
0x5e: {  	v0 =	vadd.f32 v1, v0  }
0x5f: {  	s22 =	simm.s32 $0x0  }
0x60: {  	[tilespmem:s22+$0x16800] =	vst v0  }
0x61: {  	v0 =	vld [tilespmem:s21+$0xFFFFFD90]  }
0x62: {  	v1 =	vld [tilespmem:s21+$0xFFFFFDD0];
	_ =	sdelay $0x1  }
0x63: {  	v2 =	vld [tilespmem:s21+$0xFFFFFE10];
	_ =	sdelay $0x1  }
0x64: {  	v3 =	vld [tilespmem:s21+$0xFFFFFE50]  }
0x65: {  	v0 =	vadd.f32 v1, v0  }
0x66: {  	v1 =	vld [tilespmem:s21+$0xFFFFFE90]  }
0x67: {  	v0 =	vadd.f32 v2, v0  }
0x68: {  	v2 =	vld [tilespmem:s21+$0xFFFFFED0]  }
0x69: {  	v0 =	vadd.f32 v3, v0  }
0x6a: {  	v3 =	vld [tilespmem:s21+$0xFFFFFF10]  }
0x6b: {  	v0 =	vadd.f32 v1, v0  }
0x6c: {  	v1 =	vld [tilespmem:s21+$0xFFFFFF50]  }
0x6d: {  	v0 =	vadd.f32 v2, v0  }
0x6e: {  	v2 =	vld [tilespmem:s21+$0xFFFFFF90]  }
0x6f: {  	v0 =	vadd.f32 v3, v0  }
0x70: {  	v3 =	vld [tilespmem:s21+$0xFFFFFFD0]  }
0x71: {  	v0 =	vadd.f32 v1, v0  }
0x72: {  	v1 =	vld [tilespmem:s21+$0x10]  }
0x73: {  	v0 =	vadd.f32 v2, v0  }
0x74: {  	v2 =	vld [tilespmem:s21+$0x50]  }
0x75: {  	v0 =	vadd.f32 v3, v0  }
0x76: {  	v3 =	vld [tilespmem:s21+$0x90]  }
0x77: {  	v0 =	vadd.f32 v1, v0  }
0x78: {  	v1 =	vld [tilespmem:s21+$0xD0]  }
0x79: {  	v0 =	vadd.f32 v2, v0  }
0x7a: {  	v2 =	vld [tilespmem:s21+$0x110]  }
0x7b: {  	v0 =	vadd.f32 v3, v0  }
0x7c: {  	v3 =	vld [tilespmem:s21+$0x150]  }
0x7d: {  	v0 =	vadd.f32 v1, v0  }
0x7e: {  	v1 =	vld [tilespmem:s21+$0x190]  }
0x7f: {  	v0 =	vadd.f32 v2, v0  }
0x80: {  	v2 =	vld [tilespmem:s21+$0x1D0]  }
0x81: {  	v0 =	vadd.f32 v3, v0  }
0x82: {  	v3 =	vld [tilespmem:s21+$0x210]  }
0x83: {  	v0 =	vadd.f32 v1, v0  }
0x84: {  	v1 =	vld [tilespmem:s21+$0x250]  }
0x85: {  	v0 =	vadd.f32 v2, v0;
	_ =	sdelay $0x1  }
0x86: {  	v0 =	vadd.f32 v3, v0;
	_ =	sdelay $0x1  }
0x87: {  	v0 =	vadd.f32 v1, v0;
	_ =	sdelay $0x1  }
0x88: {  	[tilespmem:s22+$0x16810] =	vst v0  }
0x89: {  	v0 =	vld [tilespmem:s21+$0xFFFFFDA0]  }
0x8a: {  	v1 =	vld [tilespmem:s21+$0xFFFFFDE0];
	_ =	sdelay $0x1  }
0x8b: {  	v2 =	vld [tilespmem:s21+$0xFFFFFE20];
	_ =	sdelay $0x1  }
0x8c: {  	v3 =	vld [tilespmem:s21+$0xFFFFFE60]  }
0x8d: {  	v0 =	vadd.f32 v1, v0  }
0x8e: {  	v1 =	vld [tilespmem:s21+$0xFFFFFEA0]  }
0x8f: {  	v0 =	vadd.f32 v2, v0  }
0x90: {  	v2 =	vld [tilespmem:s21+$0xFFFFFEE0]  }
0x91: {  	v0 =	vadd.f32 v3, v0  }
0x92: {  	v3 =	vld [tilespmem:s21+$0xFFFFFF20]  }
0x93: {  	v0 =	vadd.f32 v1, v0  }
0x94: {  	v1 =	vld [tilespmem:s21+$0xFFFFFF60]  }
0x95: {  	v0 =	vadd.f32 v2, v0  }
0x96: {  	v2 =	vld [tilespmem:s21+$0xFFFFFFA0]  }
0x97: {  	v0 =	vadd.f32 v3, v0  }
0x98: {  	v3 =	vld [tilespmem:s21+$0xFFFFFFE0]  }
0x99: {  	v0 =	vadd.f32 v1, v0  }
0x9a: {  	v1 =	vld [tilespmem:s21+$0x20]  }
0x9b: {  	v0 =	vadd.f32 v2, v0  }
0x9c: {  	v2 =	vld [tilespmem:s21+$0x60]  }
0x9d: {  	v0 =	vadd.f32 v3, v0  }
0x9e: {  	v3 =	vld [tilespmem:s21+$0xA0]  }
0x9f: {  	v0 =	vadd.f32 v1, v0  }
0xa0: {  	v1 =	vld [tilespmem:s21+$0xE0]  }
0xa1: {  	v0 =	vadd.f32 v2, v0  }
0xa2: {  	v2 =	vld [tilespmem:s21+$0x120]  }
0xa3: {  	v0 =	vadd.f32 v3, v0  }
0xa4: {  	v3 =	vld [tilespmem:s21+$0x160]  }
0xa5: {  	v0 =	vadd.f32 v1, v0  }
0xa6: {  	v1 =	vld [tilespmem:s21+$0x1A0]  }
0xa7: {  	v0 =	vadd.f32 v2, v0  }
0xa8: {  	v2 =	vld [tilespmem:s21+$0x1E0]  }
0xa9: {  	v0 =	vadd.f32 v3, v0  }
0xaa: {  	v3 =	vld [tilespmem:s21+$0x220]  }
0xab: {  	v0 =	vadd.f32 v1, v0  }
0xac: {  	v1 =	vld [tilespmem:s21+$0x260]  }
0xad: {  	v0 =	vadd.f32 v2, v0;
	_ =	sdelay $0x1  }
0xae: {  	v0 =	vadd.f32 v3, v0;
	_ =	sdelay $0x1  }
0xaf: {  	v0 =	vadd.f32 v1, v0;
	_ =	sdelay $0x1  }
0xb0: {  	[tilespmem:s22+$0x16820] =	vst v0  }
0xb1: {  	v0 =	vld [tilespmem:s21+$0xFFFFFDB0]  }
0xb2: {  	v1 =	vld [tilespmem:s21+$0xFFFFFDF0];
	_ =	sdelay $0x1  }
0xb3: {  	v2 =	vld [tilespmem:s21+$0xFFFFFE30];
	_ =	sdelay $0x1  }
0xb4: {  	v3 =	vld [tilespmem:s21+$0xFFFFFE70]  }
0xb5: {  	v0 =	vadd.f32 v1, v0  }
0xb6: {  	v1 =	vld [tilespmem:s21+$0xFFFFFEB0]  }
0xb7: {  	v0 =	vadd.f32 v2, v0  }
0xb8: {  	v2 =	vld [tilespmem:s21+$0xFFFFFEF0]  }
0xb9: {  	v0 =	vadd.f32 v3, v0  }
0xba: {  	v3 =	vld [tilespmem:s21+$0xFFFFFF30]  }
0xbb: {  	v0 =	vadd.f32 v1, v0  }
0xbc: {  	v1 =	vld [tilespmem:s21+$0xFFFFFF70]  }
0xbd: {  	v0 =	vadd.f32 v2, v0  }
0xbe: {  	v2 =	vld [tilespmem:s21+$0xFFFFFFB0]  }
0xbf: {  	v0 =	vadd.f32 v3, v0  }
0xc0: {  	v3 =	vld [tilespmem:s21+$0xFFFFFFF0]  }
0xc1: {  	v0 =	vadd.f32 v1, v0  }
0xc2: {  	v1 =	vld [tilespmem:s21+$0x30]  }
0xc3: {  	v0 =	vadd.f32 v2, v0  }
0xc4: {  	v2 =	vld [tilespmem:s21+$0x70]  }
0xc5: {  	v0 =	vadd.f32 v3, v0  }
0xc6: {  	v3 =	vld [tilespmem:s21+$0xB0]  }
0xc7: {  	v0 =	vadd.f32 v1, v0  }
0xc8: {  	v1 =	vld [tilespmem:s21+$0xF0]  }
0xc9: {  	v0 =	vadd.f32 v2, v0  }
0xca: {  	v2 =	vld [tilespmem:s21+$0x130]  }
0xcb: {  	v0 =	vadd.f32 v3, v0  }
0xcc: {  	v3 =	vld [tilespmem:s21+$0x170]  }
0xcd: {  	v0 =	vadd.f32 v1, v0  }
0xce: {  	v1 =	vld [tilespmem:s21+$0x1B0]  }
0xcf: {  	v0 =	vadd.f32 v2, v0;
	_ =	sdelay $0x1  }
0xd0: {  	v2 =	vld [tilespmem:s21+$0x1F0];
	v0 =	vadd.f32 v3, v0;
	_ =	sdelay $0x1  }
0xd1: {  	v3 =	vadd.f32 v1, v0;
	v1 =	vld [tilespmem:s21+$0x230];
	_ =	sdelay $0x1  }
0xd2: {  	v0 =	vld [tilespmem:s21+$0x270]  }
0xd3: {  	s23 =	simm.s32 $0x100;
	v2 =	vadd.f32 v2, v3  }
.LBB2_3:
0xd4: {  	p1 =	sne.s32 s23, $0x1F00  }
0xd5: {  	s21 =	sadd.s32 $0x500, s21;
	s24 =	smov.u32 s23;
	s23 =	sadd.s32 $0x100, s23;
	v1 =	vadd.f32 v1, v2  }
0xd6: {  	_ = 	snop  }
0xd7: {  	v0 =	vadd.f32 v0, v1;
	_ =	sdelay $0x1  }
0xd8: {  	[tilespmem:s22+$0x16830] =	vst v0  }
0xd9: {  	v0 =	vld [tilespmem:s21+$0xFFFFFDC0]  }
0xda: {  	v1 =	vld [tilespmem:s21+$0xFFFFFD80];
	_ =	sdelay $0x1  }
0xdb: {  	v2 =	vld [tilespmem:s21+$0xFFFFFE00];
	_ =	sdelay $0x1  }
0xdc: {  	v3 =	vld [tilespmem:s21+$0xFFFFFE40]  }
0xdd: {  	v0 =	vadd.f32 v0, v1  }
0xde: {  	v1 =	vld [tilespmem:s21+$0xFFFFFE80]  }
0xdf: {  	v0 =	vadd.f32 v2, v0  }
0xe0: {  	v2 =	vld [tilespmem:s21+$0xFFFFFEC0]  }
0xe1: {  	v0 =	vadd.f32 v3, v0  }
0xe2: {  	v3 =	vld [tilespmem:s21+$0xFFFFFF00]  }
0xe3: {  	v0 =	vadd.f32 v1, v0  }
0xe4: {  	v1 =	vld [tilespmem:s21+$0xFFFFFF40]  }
0xe5: {  	v0 =	vadd.f32 v2, v0  }
0xe6: {  	v2 =	vld [tilespmem:s21+$0xFFFFFF80]  }
0xe7: {  	v0 =	vadd.f32 v3, v0  }
0xe8: {  	v3 =	vld [tilespmem:s21+$0xFFFFFFC0]  }
0xe9: {  	v0 =	vadd.f32 v1, v0  }
0xea: {  	v1 =	vld [tilespmem:s21+$0x0]  }
0xeb: {  	v0 =	vadd.f32 v2, v0  }
0xec: {  	v2 =	vld [tilespmem:s21+$0x40]  }
0xed: {  	v0 =	vadd.f32 v3, v0  }
0xee: {  	v3 =	vld [tilespmem:s21+$0x80]  }
0xef: {  	v0 =	vadd.f32 v1, v0  }
0xf0: {  	v1 =	vld [tilespmem:s21+$0xC0]  }
0xf1: {  	v0 =	vadd.f32 v2, v0  }
0xf2: {  	v2 =	vld [tilespmem:s21+$0x100]  }
0xf3: {  	v0 =	vadd.f32 v3, v0  }
0xf4: {  	v3 =	vld [tilespmem:s21+$0x140]  }
0xf5: {  	v0 =	vadd.f32 v1, v0  }
0xf6: {  	v1 =	vld [tilespmem:s21+$0x180]  }
0xf7: {  	v0 =	vadd.f32 v2, v0  }
0xf8: {  	v2 =	vld [tilespmem:s21+$0x1C0]  }
0xf9: {  	v0 =	vadd.f32 v3, v0  }
0xfa: {  	v3 =	vld [tilespmem:s21+$0x200]  }
0xfb: {  	v0 =	vadd.f32 v1, v0  }
0xfc: {  	v1 =	vld [tilespmem:s21+$0x240]  }
0xfd: {  	v0 =	vadd.f32 v2, v0;
	_ =	sdelay $0x1  }
0xfe: {  	v0 =	vadd.f32 v3, v0;
	_ =	sdelay $0x1  }
0xff: {  	v0 =	vadd.f32 v1, v0  }
0x100: {  	s22 =	sshra.s32 s24, $0x2  }
0x101: {  	[tilespmem:s22+$0x16800] =	vst v0  }
0x102: {  	v0 =	vld [tilespmem:s21+$0xFFFFFD90]  }
0x103: {  	v1 =	vld [tilespmem:s21+$0xFFFFFDD0];
	_ =	sdelay $0x1  }
0x104: {  	v2 =	vld [tilespmem:s21+$0xFFFFFE10];
	_ =	sdelay $0x1  }
0x105: {  	v3 =	vld [tilespmem:s21+$0xFFFFFE50]  }
0x106: {  	v0 =	vadd.f32 v1, v0  }
0x107: {  	v1 =	vld [tilespmem:s21+$0xFFFFFE90]  }
0x108: {  	v0 =	vadd.f32 v2, v0  }
0x109: {  	v2 =	vld [tilespmem:s21+$0xFFFFFED0]  }
0x10a: {  	v0 =	vadd.f32 v3, v0  }
0x10b: {  	v3 =	vld [tilespmem:s21+$0xFFFFFF10]  }
0x10c: {  	v0 =	vadd.f32 v1, v0  }
0x10d: {  	v1 =	vld [tilespmem:s21+$0xFFFFFF50]  }
0x10e: {  	v0 =	vadd.f32 v2, v0  }
0x10f: {  	v2 =	vld [tilespmem:s21+$0xFFFFFF90]  }
0x110: {  	v0 =	vadd.f32 v3, v0  }
0x111: {  	v3 =	vld [tilespmem:s21+$0xFFFFFFD0]  }
0x112: {  	v0 =	vadd.f32 v1, v0  }
0x113: {  	v1 =	vld [tilespmem:s21+$0x10]  }
0x114: {  	v0 =	vadd.f32 v2, v0  }
0x115: {  	v2 =	vld [tilespmem:s21+$0x50]  }
0x116: {  	v0 =	vadd.f32 v3, v0  }
0x117: {  	v3 =	vld [tilespmem:s21+$0x90]  }
0x118: {  	v0 =	vadd.f32 v1, v0  }
0x119: {  	v1 =	vld [tilespmem:s21+$0xD0]  }
0x11a: {  	v0 =	vadd.f32 v2, v0  }
0x11b: {  	v2 =	vld [tilespmem:s21+$0x110]  }
0x11c: {  	v0 =	vadd.f32 v3, v0  }
0x11d: {  	v3 =	vld [tilespmem:s21+$0x150]  }
0x11e: {  	v0 =	vadd.f32 v1, v0  }
0x11f: {  	v1 =	vld [tilespmem:s21+$0x190]  }
0x120: {  	v0 =	vadd.f32 v2, v0  }
0x121: {  	v2 =	vld [tilespmem:s21+$0x1D0]  }
0x122: {  	v0 =	vadd.f32 v3, v0  }
0x123: {  	v3 =	vld [tilespmem:s21+$0x210]  }
0x124: {  	v0 =	vadd.f32 v1, v0  }
0x125: {  	v1 =	vld [tilespmem:s21+$0x250]  }
0x126: {  	v0 =	vadd.f32 v2, v0;
	_ =	sdelay $0x1  }
0x127: {  	v0 =	vadd.f32 v3, v0;
	_ =	sdelay $0x1  }
0x128: {  	v0 =	vadd.f32 v1, v0;
	_ =	sdelay $0x1  }
0x129: {  	[tilespmem:s22+$0x16810] =	vst v0  }
0x12a: {  	v0 =	vld [tilespmem:s21+$0xFFFFFDA0]  }
0x12b: {  	v1 =	vld [tilespmem:s21+$0xFFFFFDE0];
	_ =	sdelay $0x1  }
0x12c: {  	v2 =	vld [tilespmem:s21+$0xFFFFFE20];
	_ =	sdelay $0x1  }
0x12d: {  	v3 =	vld [tilespmem:s21+$0xFFFFFE60]  }
0x12e: {  	v0 =	vadd.f32 v1, v0  }
0x12f: {  	v1 =	vld [tilespmem:s21+$0xFFFFFEA0]  }
0x130: {  	v0 =	vadd.f32 v2, v0  }
0x131: {  	v2 =	vld [tilespmem:s21+$0xFFFFFEE0]  }
0x132: {  	v0 =	vadd.f32 v3, v0  }
0x133: {  	v3 =	vld [tilespmem:s21+$0xFFFFFF20]  }
0x134: {  	v0 =	vadd.f32 v1, v0  }
0x135: {  	v1 =	vld [tilespmem:s21+$0xFFFFFF60]  }
0x136: {  	v0 =	vadd.f32 v2, v0  }
0x137: {  	v2 =	vld [tilespmem:s21+$0xFFFFFFA0]  }
0x138: {  	v0 =	vadd.f32 v3, v0  }
0x139: {  	v3 =	vld [tilespmem:s21+$0xFFFFFFE0]  }
0x13a: {  	v0 =	vadd.f32 v1, v0  }
0x13b: {  	v1 =	vld [tilespmem:s21+$0x20]  }
0x13c: {  	v0 =	vadd.f32 v2, v0  }
0x13d: {  	v2 =	vld [tilespmem:s21+$0x60]  }
0x13e: {  	v0 =	vadd.f32 v3, v0  }
0x13f: {  	v3 =	vld [tilespmem:s21+$0xA0]  }
0x140: {  	v0 =	vadd.f32 v1, v0  }
0x141: {  	v1 =	vld [tilespmem:s21+$0xE0]  }
0x142: {  	v0 =	vadd.f32 v2, v0  }
0x143: {  	v2 =	vld [tilespmem:s21+$0x120]  }
0x144: {  	v0 =	vadd.f32 v3, v0  }
0x145: {  	v3 =	vld [tilespmem:s21+$0x160]  }
0x146: {  	v0 =	vadd.f32 v1, v0  }
0x147: {  	v1 =	vld [tilespmem:s21+$0x1A0]  }
0x148: {  	v0 =	vadd.f32 v2, v0  }
0x149: {  	v2 =	vld [tilespmem:s21+$0x1E0]  }
0x14a: {  	v0 =	vadd.f32 v3, v0  }
0x14b: {  	v3 =	vld [tilespmem:s21+$0x220]  }
0x14c: {  	v0 =	vadd.f32 v1, v0  }
0x14d: {  	v1 =	vld [tilespmem:s21+$0x260]  }
0x14e: {  	v0 =	vadd.f32 v2, v0;
	_ =	sdelay $0x1  }
0x14f: {  	v0 =	vadd.f32 v3, v0;
	_ =	sdelay $0x1  }
0x150: {  	v0 =	vadd.f32 v1, v0;
	_ =	sdelay $0x1  }
0x151: {  	[tilespmem:s22+$0x16820] =	vst v0  }
0x152: {  	v0 =	vld [tilespmem:s21+$0xFFFFFDB0]  }
0x153: {  	v1 =	vld [tilespmem:s21+$0xFFFFFDF0]  }
0x154: {  	v2 =	vld [tilespmem:s21+$0xFFFFFE30]  }
0x155: {  	v3 =	vld [tilespmem:s21+$0xFFFFFE70]  }
0x156: {  	v4 =	vld [tilespmem:s21+$0xFFFFFEB0]  }
0x157: {  	v5 =	vld [tilespmem:s21+$0xFFFFFEF0]  }
0x158: {  	v0 =	vadd.f32 v1, v0;
	v1 =	vld [tilespmem:s21+$0xFFFFFF30]  }
0x159: {  	v6 =	vld [tilespmem:s21+$0xFFFFFF70]  }
0x15a: {  	v0 =	vadd.f32 v2, v0;
	v2 =	vld [tilespmem:s21+$0xFFFFFFB0]  }
0x15b: {  	v7 =	vld [tilespmem:s21+$0xFFFFFFF0]  }
0x15c: {  	v0 =	vadd.f32 v3, v0;
	v3 =	vld [tilespmem:s21+$0x30]  }
0x15d: {  	v8 =	vld [tilespmem:s21+$0x70]  }
0x15e: {  	v0 =	vadd.f32 v4, v0;
	v4 =	vld [tilespmem:s21+$0xB0]  }
0x15f: {  	v9 =	vld [tilespmem:s21+$0xF0]  }
0x160: {  	v0 =	vadd.f32 v5, v0;
	v5 =	vld [tilespmem:s21+$0x130]  }
0x161: {  	v10 =	vld [tilespmem:s21+$0x170]  }
0x162: {  	v0 =	vadd.f32 v1, v0;
	v11 =	vld [tilespmem:s21+$0x1B0]  }
0x163: {  	v12 =	vld [tilespmem:s21+$0x1F0]  }
0x164: {  	v6 =	vadd.f32 v6, v0;
	v1 =	vld [tilespmem:s21+$0x230]  }
0x165: {  	v0 =	vld [tilespmem:s21+$0x270]  }
0x166: {  	v2 =	vadd.f32 v2, v6;
	_ =	sdelay $0x1  }
0x167: {  	v2 =	vadd.f32 v7, v2;
	_ =	sdelay $0x1  }
0x168: {  	v2 =	vadd.f32 v3, v2;
	_ =	sdelay $0x1  }
0x169: {  	v2 =	vadd.f32 v8, v2;
	_ =	sdelay $0x1  }
0x16a: {  	v2 =	vadd.f32 v4, v2;
	_ =	sdelay $0x1  }
0x16b: {  	v2 =	vadd.f32 v9, v2;
	_ =	sdelay $0x1  }
0x16c: {  	v2 =	vadd.f32 v5, v2;
	_ =	sdelay $0x1  }
.Ltmp0:
0x16d: {  	v2 =	vadd.f32 v10, v2;
	(pc) =	sbr.rel @p1 .LBB2_3-.Ltmp0, $3  }
0x16e: {  	_ = 	snop  }
0x16f: {  	v2 =	vadd.f32 v11, v2;
	_ =	sdelay $0x1  }
0x170: {  	v2 =	vadd.f32 v12, v2  }
0x171: {  	_ = 	snop  }
0x172: {  	v1 =	vadd.f32 v1, v2;
	_ =	sdelay $0x1  }
0x173: {  	v0 =	vadd.f32 v0, v1  }
0x174: {  	s20 =	sshll.u32 s20, $0x8;
	p1 =	sne.s32 s19, $0x10  }
.Ltmp1:
0x175: {  	s20 =	sadd.s32 s20, s5;
	[tilespmem:s22+$0x16830] =	vst v0;
	(pc) =	sbr.rel @p1 .LBB2_2-.Ltmp1, $4  }
0x176: {  	[hbm4b:s20+s2] =	stream.linear.scatter [tilespmem:s17], [sflag:$0x3], $0x800, $0x38;
	[tilespmem:$0x17000] =	vst v63  }
0x177: {  	_ =	swait.ge [sflag:s7], $0x800  }
0x178: {  	[sflag:s7] =	ssyncset.done $0x0  }
0x179: {  	p0 =	por !p0, !p0;
	s20 =	smov.u32 s19;
	[sflag:s7] =	ssyncadd.s32 $0xFFFFF800  }
0x17a: {  	s18 =	sadd.s32 $0x1, s18  }
0x17b: {  	p0 =	sne.s32 s18, s6  }
.Ltmp2:
0x17c: {  	_ = 	snop;
	(pc) =	sbr.rel @p0 .LBB2_1-.Ltmp2, $1  }
0x17d: {  	_ =	sdelay $0x3  }
0x17e: {  	_ =	sfence.sel $0x180000  }
0x17f: {  	[bflag:$0x0] =	sbarrier.arrive $0xFFFF  }
0x180: {  	p0 =	sne.s32 s0, $0x0;
	_ =	strace $0x90000047  }
0x181: {  	s0 =	sadd.s32 @!p0 $0x100000, s1;
	[bflag:$0x2] =	sbarrier.arrive $0xFFFF  }
0x182: {  	[sflag:s0] =	ssyncadd.tile.s32 @!p0 $0x1;
	_ =	shalt  }
.Lfunc_end2:
_tile_overlayer_lowered:
.L_overlay_start_2:
0x183: {  	(tag) =	ssettag $0x2  }
0x184: {  	s0 =	rddreg [dreg:$0x0];
	s2 =	stileid.u32  }
0x185: {  	s1 =	rddreg [dreg:$0x1];
	p0 =	sne.s32 s2, $0x0  }
0x186: {  	s3 =	rddreg [dreg:$0x2];
	[bflag:$0x3] =	sbarrier.arrive $0xFFFF;
	s2 =	simm.s32 @!p0 $0x1C03  }
0x187: {  	[timem:s3], [sflag:s2] =	dma.local @!p0 [hbm:s0], s1  }
0x188: {  	s0 =	simm.s32 @!p0 $0x3  }
0x189: {  	_ =	swait.ge @!p0 [sflag:s0], s1  }
0x18a: {  	s1 =	ssub.s32 @!p0 $0x0, s1;
	[sflag:s0] =	ssyncset.done @!p0 $0x0  }
0x18b: {  	[sflag:s0] =	ssyncadd.s32 @!p0 s1  }
0x18c: {  	[bflag:$0x3] =	sbarrier.arrive $0xFFFF  }
0x18d: {  	_ =	shalt  }

</sc_bundles>
